<compile_context>
chip_gen: v7x
topology: tpu7x:2x2x1
jax: 0.10.2.dev20260603
libtpu: 0.0.44.dev20260713+nightly
codegen_flags: <defaults>
</compile_context>

<pallas_src>
import functools

import jax
import jax.numpy as jnp
from jax import lax
from jax.experimental import pallas as pl
from jax.experimental.pallas import tpu as pltpu
from jax.experimental.pallas import tpu_sc as plsc

N = 10000
D = 128
E = 320000
NC = 2
NS = 16
NW = NC * NS
C = 125
CPT = (E // NW) // C
STRIPE = 640
LAST = N - 15 * STRIPE

_mesh = plsc.VectorSubcoreMesh(core_axis_name="c", subcore_axis_name="s")


@functools.partial(
    pl.kernel,
    mesh=_mesh,
    out_type=jax.ShapeDtypeStruct((NC * N,), jnp.float32),
    scratch_types=[
        pltpu.VMEM((CPT, C), jnp.int32),
        pltpu.VMEM((C,), jnp.float32),
        pltpu.VMEM((STRIPE,), jnp.float32),
        pltpu.VMEM_SHARED((N,), jnp.float32),
    ],
)
def _sc_deg(col_hbm, zvec_hbm, ones_hbm, out_hbm, cidx, ones_v, stage, dacc):
    c = lax.axis_index("c")
    s = lax.axis_index("s")
    wid = s * NC + c

    pltpu.sync_copy(zvec_hbm, stage)

    @pl.when(s < NS - 1)
    def _():
        base = pl.multiple_of(s * STRIPE, 8)
        pltpu.sync_copy(stage, dacc.at[pl.ds(base, STRIPE)])

    @pl.when(s == NS - 1)
    def _():
        pltpu.sync_copy(stage.at[pl.ds(0, LAST)], dacc.at[pl.ds(15 * STRIPE, LAST)])

    pltpu.sync_copy(ones_hbm, ones_v)
    pltpu.sync_copy(col_hbm.at[pl.ds(wid * CPT, CPT)], cidx)
    plsc.subcore_barrier()

    @pl.loop(0, CPT)
    def _(j):
        pltpu.sync_copy(ones_v, dacc.at[cidx.at[j]], add=True)

    plsc.subcore_barrier()

    @pl.when(s < NS - 1)
    def _():
        base = pl.multiple_of(s * STRIPE, 8)
        obase = pl.multiple_of(c * N + s * STRIPE, 8)
        pltpu.sync_copy(dacc.at[pl.ds(base, STRIPE)], stage)
        pltpu.sync_copy(stage, out_hbm.at[pl.ds(obase, STRIPE)])

    @pl.when(s == NS - 1)
    def _():
        obase = pl.multiple_of(c * N + 15 * STRIPE, 8)
        pltpu.sync_copy(dacc.at[pl.ds(15 * STRIPE, LAST)], stage.at[pl.ds(0, LAST)])
        pltpu.sync_copy(stage.at[pl.ds(0, LAST)], out_hbm.at[pl.ds(obase, LAST)])


@functools.partial(
    pl.kernel,
    mesh=_mesh,
    out_type=jax.ShapeDtypeStruct((NC, N, D), jnp.float32),
    scratch_types=[
        pltpu.VMEM((CPT, C), jnp.int32),
        pltpu.VMEM((CPT, C), jnp.int32),
        pltpu.VMEM((C, D), jnp.float32),
        pltpu.VMEM((C, D), jnp.float32),
        pltpu.VMEM_SHARED((N, D), jnp.float32),
        pltpu.SemaphoreType.DMA,
        pltpu.SemaphoreType.DMA,
    ],
)
def _sc_spmm(row_hbm, col_hbm, h_hbm, zrows_hbm, dummy_hbm, out_hbm,
             ridx, cidx, bufa, bufb, acc, sga, sgb):
    c = lax.axis_index("c")
    s = lax.axis_index("s")
    wid = s * NC + c

    @pl.when(s < NS - 1)
    def _():
        base = pl.multiple_of(s * STRIPE, 8)
        pltpu.sync_copy(zrows_hbm, acc.at[pl.ds(base, STRIPE)])

    @pl.when(s == NS - 1)
    def _():
        pltpu.sync_copy(zrows_hbm.at[pl.ds(0, LAST)], acc.at[pl.ds(15 * STRIPE, LAST)])

    pltpu.sync_copy(row_hbm.at[pl.ds(wid * CPT, CPT)], ridx)
    pltpu.sync_copy(col_hbm.at[pl.ds(wid * CPT, CPT)], cidx)
    plsc.subcore_barrier()

    @pl.loop(0, CPT)
    def _(j):
        pltpu.async_copy(h_hbm.at[ridx.at[j]], bufa, sga).wait()
        pltpu.sync_copy(bufa, acc.at[cidx.at[j]], add=True)

    plsc.subcore_barrier()

    @pl.when(s < NS - 1)
    def _():
        base = pl.multiple_of(s * STRIPE, 8)
        pltpu.sync_copy(acc.at[pl.ds(base, STRIPE)], out_hbm.at[c, pl.ds(base, STRIPE)])

    @pl.when(s == NS - 1)
    def _():
        pltpu.sync_copy(acc.at[pl.ds(15 * STRIPE, LAST)],
                        out_hbm.at[c, pl.ds(15 * STRIPE, LAST)])


BN = 400


def _mm1_body(deg_ref, x_ref, w_ref, o_ref):
    dinv = lax.rsqrt(deg_ref[0] + deg_ref[1] + 1.0)
    o_ref[...] = dinv * jnp.dot(x_ref[...], w_ref[...],
                                preferred_element_type=jnp.float32)


def _mid_body(deg_ref, acc_ref, h_ref, b_ref, w_ref, o_ref):
    dinv = lax.rsqrt(deg_ref[0] + deg_ref[1] + 1.0)
    z = dinv * (acc_ref[0] + acc_ref[1] + h_ref[...]) + b_ref[...]
    z = jnp.maximum(z, 0.0)
    o_ref[...] = dinv * jnp.dot(z, w_ref[...], preferred_element_type=jnp.float32)


def _final_body(deg_ref, acc_ref, h_ref, b_ref, o_ref):
    dinv = lax.rsqrt(deg_ref[0] + deg_ref[1] + 1.0)
    z = dinv * (acc_ref[0] + acc_ref[1] + h_ref[...]) + b_ref[...]
    o_ref[...] = jnp.maximum(z, 0.0)


_deg_spec = pl.BlockSpec((NC, BN, 1), lambda i: (0, i, 0))
_row_spec = pl.BlockSpec((BN, D), lambda i: (i, 0))
_acc_spec = pl.BlockSpec((NC, BN, D), lambda i: (0, i, 0))
_w_spec = pl.BlockSpec((D, D), lambda i: (0, 0))
_b_spec = pl.BlockSpec((1, D), lambda i: (0, 0))

_tc_mm1 = pl.pallas_call(
    _mm1_body,
    grid=(N // BN,),
    in_specs=[_deg_spec, _row_spec, _w_spec],
    out_specs=_row_spec,
    out_shape=jax.ShapeDtypeStruct((N, D), jnp.float32),
)

_tc_mid = pl.pallas_call(
    _mid_body,
    grid=(N // BN,),
    in_specs=[_deg_spec, _acc_spec, _row_spec, _b_spec, _w_spec],
    out_specs=_row_spec,
    out_shape=jax.ShapeDtypeStruct((N, D), jnp.float32),
)

_tc_final = pl.pallas_call(
    _final_body,
    grid=(N // BN,),
    in_specs=[_deg_spec, _acc_spec, _row_spec, _b_spec],
    out_specs=_row_spec,
    out_shape=jax.ShapeDtypeStruct((N, D), jnp.float32),
)


@jax.jit
def kernel(edge_index, x, W1, b1, W2, b2):
    row2d = edge_index[0].astype(jnp.int32).reshape(E // C, C)
    col2d = edge_index[1].astype(jnp.int32).reshape(E // C, C)
    zvec = jnp.zeros((STRIPE,), jnp.float32)
    zdrain = jnp.zeros((C, D), jnp.float32)
    zrows = jnp.zeros((STRIPE, D), jnp.float32)
    ones = jnp.ones((C,), jnp.float32)

    degp = _sc_deg(col2d, zvec, ones)
    degp3 = degp.reshape(NC, N, 1)

    h1p = _tc_mm1(degp3, x, W1)
    acc1 = _sc_spmm(row2d, col2d, h1p, zrows, zdrain)
    h2p = _tc_mid(degp3, acc1, h1p, b1.reshape(1, D), W2)
    acc2 = _sc_spmm(row2d, col2d, h2p, zrows, zdrain)
    z2 = _tc_final(degp3, acc2, h2p, b2.reshape(1, D))
    return z2

# --- scband reference (transcript-rebuilt; emitter-appended) ---
"""Pipeline reference for scband-gconv-39376260170204 (READ-ONLY COPY).

The authoritative reference and input builder live on the scoring server;
editing this copy changes nothing except your own understanding.
"""

import jax, jax.numpy as jnp
import numpy as np


def gcn_layer(x, edge_index, W, b):
    n = x.shape[0]
    row = edge_index[0]
    col = edge_index[1]
    # add self loops (PyG GCNConv default add_self_loops=True)
    loop = jnp.arange(n, dtype=row.dtype)
    row = jnp.concatenate([row, loop])
    col = jnp.concatenate([col, loop])
    # linear transform first (PyG applies lin before propagate)
    x = x @ W
    # symmetric normalization D^{-1/2} (A+I) D^{-1/2}
    ones = jnp.ones(col.shape[0], dtype=x.dtype)
    deg = jax.ops.segment_sum(ones, col, num_segments=n)
    dinv = jnp.where(deg > 0, deg ** -0.5, 0.0)
    norm = dinv[row] * dinv[col]
    msg = x[row] * norm[:, None]
    out = jax.ops.segment_sum(msg, col, num_segments=n)
    return out + b


def setup_inputs(seed: int = 0) -> dict:
    key = jax.random.key(seed)
    k0, k1, k2, k3 = jax.random.split(key, 4)
    node_num, input_dim, hidden_dim = 10000, 128, 128
    E = 320000
    edge_index = jax.random.randint(k0, (2, E), 0, node_num, dtype=jnp.int64)
    # learned node features (parameter in the torch module, init ~ U[0,1))
    x = jax.random.uniform(k1, (node_num, input_dim), dtype=jnp.float32)
    W1 = jax.random.normal(k2, (input_dim, hidden_dim), dtype=jnp.float32) * 0.05
    b1 = jnp.zeros((hidden_dim,), dtype=jnp.float32)
    W2 = jax.random.normal(k3, (hidden_dim, hidden_dim), dtype=jnp.float32) * 0.05
    b2 = jnp.zeros((hidden_dim,), dtype=jnp.float32)
    return {"edge_index": edge_index, "x": x, "W1": W1, "b1": b1, "W2": W2, "b2": b2}


def reference(edge_index, x, W1, b1, W2, b2):
    z = gcn_layer(x, edge_index, W1, b1)
    z = jax.nn.relu(z)
    z = gcn_layer(z, edge_index, W2, b2)
    z = jax.nn.relu(z)
    return z

if __name__ == "__main__":
    import jax
    _d = setup_inputs()
    print(jax.jit(kernel)(*tuple(_d.values())))

</pallas_src>

<mosaic_0001>
#map = affine_map<(d0, d1) -> (0, 0)>
#map1 = affine_map<(d0, d1) -> (0, 0, 0)>
module attributes {stable_mosaic.version = 14 : i64} {
  func.func @_sc_spmm(%arg0: i32, %arg1: i32, %arg2: memref<2560x125xi32, #tpu.memory_space<hbm>>, %arg3: memref<2560x125xi32, #tpu.memory_space<hbm>>, %arg4: memref<10000x128xf32, #tpu.memory_space<hbm>>, %arg5: memref<640x128xf32, #tpu.memory_space<hbm>>, %arg6: memref<125x128xf32, #tpu.memory_space<hbm>>, %arg7: memref<2x10000x128xf32, #tpu.memory_space<hbm>>, %arg8: memref<80x125xi32, #tpu.memory_space<vmem>>, %arg9: memref<80x125xi32, #tpu.memory_space<vmem>>, %arg10: memref<125x128xf32, #tpu.memory_space<vmem>>, %arg11: memref<125x128xf32, #tpu.memory_space<vmem>>, %arg12: memref<10000x128xf32, #tpu.memory_space<vmem_shared>>, %arg13: memref<!tpu.dma_semaphore, #tpu.memory_space<semaphore_mem>>, %arg14: memref<!tpu.dma_semaphore, #tpu.memory_space<semaphore_mem>>) attributes {dimension_semantics = [#tpu.dimension_semantics<core_parallel>, #tpu.dimension_semantics<subcore_parallel>], iteration_bounds = array<i64: 2, 16>, scalar_prefetch = 0 : i64, scratch_operands = 7 : i64, tpu.core_type = #tpu.core_type<sc_vector_subcore>, window_params = [{transform_indices = #map}, {transform_indices = #map}, {transform_indices = #map}, {transform_indices = #map}, {transform_indices = #map}, {transform_indices = #map1}]} {
    %mul3A = arith.constant 2 : i32
    %mul3A_0 = arith.muli %arg1, %mul3A : i32
    %add3A = arith.addi %mul3A_0, %arg0 : i32
    %lt3A = arith.constant 15 : i32
    %lt3A_1 = arith.cmpi slt, %arg1, %lt3A : i32
    %convert_element_type3A = arith.extui %lt3A_1 : i1 to i32
    %cond3A = arith.constant 0 : i32
    %cond3A_2 = arith.cmpi ne, %convert_element_type3A, %cond3A : i32
    scf.if %cond3A_2 {
      %mul3A_26 = arith.constant 640 : i32
      %mul3A_27 = arith.muli %arg1, %mul3A_26 : i32
      %multiple_of3A = tpu.assume_multiple %mul3A_27, 8 : i32
      "tpu.region"() ({
        %run_scoped3A = tpu.sem_alloc : memref<!tpu.dma_semaphore, #tpu.memory_space<semaphore_mem>>
        %dma_start3A = arith.constant 0 : i32
        %dma_start3A_28 = tpu.memref_slice %arg12[%multiple_of3A, %dma_start3A] : memref<10000x128xf32, #tpu.memory_space<vmem_shared>> -> memref<640x128xf32, #tpu.memory_space<vmem_shared>>
        tpu.enqueue_dma source(%arg5 : memref<640x128xf32, #tpu.memory_space<hbm>>) target(%dma_start3A_28 : memref<640x128xf32, #tpu.memory_space<vmem_shared>>) target_semaphore(%run_scoped3A : memref<!tpu.dma_semaphore, #tpu.memory_space<semaphore_mem>>)
        %dma_wait3A = arith.constant 0 : i32
        %dma_wait3A_29 = tpu.memref_slice %arg12[%multiple_of3A, %dma_wait3A] : memref<10000x128xf32, #tpu.memory_space<vmem_shared>> -> memref<640x128xf32, #tpu.memory_space<vmem_shared>>
        tpu.wait_dma2 semaphore(%run_scoped3A : memref<!tpu.dma_semaphore, #tpu.memory_space<semaphore_mem>>) src(%arg5 : memref<640x128xf32, #tpu.memory_space<hbm>>) dst(%dma_wait3A_29 : memref<640x128xf32, #tpu.memory_space<vmem_shared>>)
        tpu.yield
      }) : () -> ()
    } else {
    }
    %eq3A = arith.constant 15 : i32
    %eq3A_3 = arith.cmpi eq, %arg1, %eq3A : i32
    %convert_element_type3A_4 = arith.extui %eq3A_3 : i1 to i32
    %cond3A_5 = arith.constant 0 : i32
    %cond3A_6 = arith.cmpi ne, %convert_element_type3A_4, %cond3A_5 : i32
    scf.if %cond3A_6 {
      "tpu.region"() ({
        %run_scoped3A = tpu.sem_alloc : memref<!tpu.dma_semaphore, #tpu.memory_space<semaphore_mem>>
        %dma_start3A = arith.constant 9600 : i32
        %dma_start3A_26 = arith.constant 0 : i32
        %dma_start3A_27 = tpu.memref_slice %arg12[%dma_start3A, %dma_start3A_26] : memref<10000x128xf32, #tpu.memory_space<vmem_shared>> -> memref<400x128xf32, #tpu.memory_space<vmem_shared>>
        %dma_start3A_28 = arith.constant 0 : i32
        %dma_start3A_29 = arith.constant 0 : i32
        %dma_start3A_30 = tpu.memref_slice %arg5[%dma_start3A_28, %dma_start3A_29] : memref<640x128xf32, #tpu.memory_space<hbm>> -> memref<400x128xf32, #tpu.memory_space<hbm>>
        tpu.enqueue_dma source(%dma_start3A_30 : memref<400x128xf32, #tpu.memory_space<hbm>>) target(%dma_start3A_27 : memref<400x128xf32, #tpu.memory_space<vmem_shared>>) target_semaphore(%run_scoped3A : memref<!tpu.dma_semaphore, #tpu.memory_space<semaphore_mem>>)
        %dma_wait3A = arith.constant 9600 : i32
        %dma_wait3A_31 = arith.constant 0 : i32
        %dma_wait3A_32 = tpu.memref_slice %arg12[%dma_wait3A, %dma_wait3A_31] : memref<10000x128xf32, #tpu.memory_space<vmem_shared>> -> memref<400x128xf32, #tpu.memory_space<vmem_shared>>
        %dma_wait3A_33 = arith.constant 0 : i32
        %dma_wait3A_34 = arith.constant 0 : i32
        %dma_wait3A_35 = tpu.memref_slice %arg5[%dma_wait3A_33, %dma_wait3A_34] : memref<640x128xf32, #tpu.memory_space<hbm>> -> memref<400x128xf32, #tpu.memory_space<hbm>>
        tpu.wait_dma2 semaphore(%run_scoped3A : memref<!tpu.dma_semaphore, #tpu.memory_space<semaphore_mem>>) src(%dma_wait3A_35 : memref<400x128xf32, #tpu.memory_space<hbm>>) dst(%dma_wait3A_32 : memref<400x128xf32, #tpu.memory_space<vmem_shared>>)
        tpu.yield
      }) : () -> ()
    } else {
    }
    %mul3A_7 = arith.constant 80 : i32
    %mul3A_8 = arith.muli %add3A, %mul3A_7 : i32
    "tpu.region"() ({
      %run_scoped3A = tpu.sem_alloc : memref<!tpu.dma_semaphore, #tpu.memory_space<semaphore_mem>>
      %dma_start3A = arith.constant 0 : i32
      %dma_start3A_26 = tpu.memref_slice %arg2[%mul3A_8, %dma_start3A] : memref<2560x125xi32, #tpu.memory_space<hbm>> -> memref<80x125xi32, #tpu.memory_space<hbm>>
      %dma_start3A_27 = arith.constant 0 : i32
      %dma_start3A_28 = tpu.memref_slice %arg2[%mul3A_8, %dma_start3A_27] : memref<2560x125xi32, #tpu.memory_space<hbm>> -> memref<80x125xi32, #tpu.memory_space<hbm>>
      tpu.enqueue_dma source(%dma_start3A_28 : memref<80x125xi32, #tpu.memory_space<hbm>>) target(%arg8 : memref<80x125xi32, #tpu.memory_space<vmem>>) target_semaphore(%run_scoped3A : memref<!tpu.dma_semaphore, #tpu.memory_space<semaphore_mem>>)
      %dma_wait3A = arith.constant 0 : i32
      %dma_wait3A_29 = tpu.memref_slice %arg2[%mul3A_8, %dma_wait3A] : memref<2560x125xi32, #tpu.memory_space<hbm>> -> memref<80x125xi32, #tpu.memory_space<hbm>>
      %dma_wait3A_30 = arith.constant 0 : i32
      %dma_wait3A_31 = tpu.memref_slice %arg2[%mul3A_8, %dma_wait3A_30] : memref<2560x125xi32, #tpu.memory_space<hbm>> -> memref<80x125xi32, #tpu.memory_space<hbm>>
      tpu.wait_dma2 semaphore(%run_scoped3A : memref<!tpu.dma_semaphore, #tpu.memory_space<semaphore_mem>>) src(%dma_wait3A_31 : memref<80x125xi32, #tpu.memory_space<hbm>>) dst(%arg8 : memref<80x125xi32, #tpu.memory_space<vmem>>)
      tpu.yield
    }) : () -> ()
    %mul3A_9 = arith.constant 80 : i32
    %mul3A_10 = arith.muli %add3A, %mul3A_9 : i32
    "tpu.region"() ({
      %run_scoped3A = tpu.sem_alloc : memref<!tpu.dma_semaphore, #tpu.memory_space<semaphore_mem>>
      %dma_start3A = arith.constant 0 : i32
      %dma_start3A_26 = tpu.memref_slice %arg3[%mul3A_10, %dma_start3A] : memref<2560x125xi32, #tpu.memory_space<hbm>> -> memref<80x125xi32, #tpu.memory_space<hbm>>
      %dma_start3A_27 = arith.constant 0 : i32
      %dma_start3A_28 = tpu.memref_slice %arg3[%mul3A_10, %dma_start3A_27] : memref<2560x125xi32, #tpu.memory_space<hbm>> -> memref<80x125xi32, #tpu.memory_space<hbm>>
      tpu.enqueue_dma source(%dma_start3A_28 : memref<80x125xi32, #tpu.memory_space<hbm>>) target(%arg9 : memref<80x125xi32, #tpu.memory_space<vmem>>) target_semaphore(%run_scoped3A : memref<!tpu.dma_semaphore, #tpu.memory_space<semaphore_mem>>)
      %dma_wait3A = arith.constant 0 : i32
      %dma_wait3A_29 = tpu.memref_slice %arg3[%mul3A_10, %dma_wait3A] : memref<2560x125xi32, #tpu.memory_space<hbm>> -> memref<80x125xi32, #tpu.memory_space<hbm>>
      %dma_wait3A_30 = arith.constant 0 : i32
      %dma_wait3A_31 = tpu.memref_slice %arg3[%mul3A_10, %dma_wait3A_30] : memref<2560x125xi32, #tpu.memory_space<hbm>> -> memref<80x125xi32, #tpu.memory_space<hbm>>
      tpu.wait_dma2 semaphore(%run_scoped3A : memref<!tpu.dma_semaphore, #tpu.memory_space<semaphore_mem>>) src(%dma_wait3A_31 : memref<80x125xi32, #tpu.memory_space<hbm>>) dst(%arg9 : memref<80x125xi32, #tpu.memory_space<vmem>>)
      tpu.yield
    }) : () -> ()
    %barrier3A = arith.constant 0 : index
    tpu.barrier barrier_id(%barrier3A)
    %scan3A = arith.constant 0 : i32
    %scan3A_11 = arith.constant 80 : i32
    %scan3A_12 = arith.addi %scan3A, %scan3A_11 : i32
    %scan3A_13 = arith.constant 1 : i32
    scf.for %scan3A_26 = %scan3A to %scan3A_12 step %scan3A_13  : i32 {
      %mul3A_27 = arith.constant 1 : i32
      %mul3A_28 = arith.muli %scan3A_26, %mul3A_27 : i32
      %add3A_29 = arith.constant 0 : i32
      %add3A_30 = arith.addi %add3A_29, %mul3A_28 : i32
      %dma_start3A = arith.constant 0 : i32
      %dma_start3A_31 = tpu.memref_slice %arg8[%add3A_30, %dma_start3A] : memref<80x125xi32, #tpu.memory_space<vmem>> -> memref<1x125xi32, #tpu.memory_space<vmem>>
      %dma_start3A_32 = tpu.memref_squeeze %dma_start3A_31 : memref<1x125xi32, #tpu.memory_space<vmem>> -> memref<125xi32, #tpu.memory_space<vmem>>
      %dma_start3A_33 = arith.constant 0 : i32
      %dma_start3A_34 = arith.constant 0 : i32
      %dma_start3A_35 = tpu.memref_slice %arg4[%dma_start3A_33, %dma_start3A_34] : memref<10000x128xf32, #tpu.memory_space<hbm>> -> memref<10000x128xf32, #tpu.memory_space<hbm>>
      tpu.enqueue_indirect_dma source(%dma_start3A_35 : memref<10000x128xf32, #tpu.memory_space<hbm>>) target(%arg10 : memref<125x128xf32, #tpu.memory_space<vmem>>) offsets(%dma_start3A_32 : memref<125xi32, #tpu.memory_space<vmem>>) semaphore(%arg13 : memref<!tpu.dma_semaphore, #tpu.memory_space<semaphore_mem>>)
      %dma_wait3A = arith.constant 0 : i32
      %dma_wait3A_36 = tpu.memref_slice %arg8[%add3A_30, %dma_wait3A] : memref<80x125xi32, #tpu.memory_space<vmem>> -> memref<1x125xi32, #tpu.memory_space<vmem>>
      %dma_wait3A_37 = tpu.memref_squeeze %dma_wait3A_36 : memref<1x125xi32, #tpu.memory_space<vmem>> -> memref<125xi32, #tpu.memory_space<vmem>>
      %dma_wait3A_38 = arith.constant 0 : i32
      %dma_wait3A_39 = arith.constant 0 : i32
      %dma_wait3A_40 = tpu.memref_slice %arg4[%dma_wait3A_38, %dma_wait3A_39] : memref<10000x128xf32, #tpu.memory_space<hbm>> -> memref<10000x128xf32, #tpu.memory_space<hbm>>
      tpu.wait_indirect_dma semaphore(%arg13 : memref<!tpu.dma_semaphore, #tpu.memory_space<semaphore_mem>>) src(%dma_wait3A_40 : memref<10000x128xf32, #tpu.memory_space<hbm>>) dst(%arg10 : memref<125x128xf32, #tpu.memory_space<vmem>>)
      "tpu.region"() ({
        %run_scoped3A = tpu.sem_alloc : memref<!tpu.dma_semaphore, #tpu.memory_space<semaphore_mem>>
        %dma_start3A_41 = arith.constant 0 : i32
        %dma_start3A_42 = tpu.memref_slice %arg9[%add3A_30, %dma_start3A_41] : memref<80x125xi32, #tpu.memory_space<vmem>> -> memref<1x125xi32, #tpu.memory_space<vmem>>
        %dma_start3A_43 = tpu.memref_squeeze %dma_start3A_42 : memref<1x125xi32, #tpu.memory_space<vmem>> -> memref<125xi32, #tpu.memory_space<vmem>>
        %dma_start3A_44 = arith.constant 0 : i32
        %dma_start3A_45 = arith.constant 0 : i32
        %dma_start3A_46 = tpu.memref_slice %arg12[%dma_start3A_44, %dma_start3A_45] : memref<10000x128xf32, #tpu.memory_space<vmem_shared>> -> memref<10000x128xf32, #tpu.memory_space<vmem_shared>>
        tpu.enqueue_indirect_dma source(%arg10 : memref<125x128xf32, #tpu.memory_space<vmem>>) target(%dma_start3A_46 : memref<10000x128xf32, #tpu.memory_space<vmem_shared>>) offsets(%dma_start3A_43 : memref<125xi32, #tpu.memory_space<vmem>>) semaphore(%run_scoped3A : memref<!tpu.dma_semaphore, #tpu.memory_space<semaphore_mem>>) {add = true}
        %dma_wait3A_47 = arith.constant 0 : i32
        %dma_wait3A_48 = tpu.memref_slice %arg9[%add3A_30, %dma_wait3A_47] : memref<80x125xi32, #tpu.memory_space<vmem>> -> memref<1x125xi32, #tpu.memory_space<vmem>>
        %dma_wait3A_49 = tpu.memref_squeeze %dma_wait3A_48 : memref<1x125xi32, #tpu.memory_space<vmem>> -> memref<125xi32, #tpu.memory_space<vmem>>
        %dma_wait3A_50 = arith.constant 0 : i32
        %dma_wait3A_51 = arith.constant 0 : i32
        %dma_wait3A_52 = tpu.memref_slice %arg12[%dma_wait3A_50, %dma_wait3A_51] : memref<10000x128xf32, #tpu.memory_space<vmem_shared>> -> memref<10000x128xf32, #tpu.memory_space<vmem_shared>>
        tpu.wait_indirect_dma semaphore(%run_scoped3A : memref<!tpu.dma_semaphore, #tpu.memory_space<semaphore_mem>>) src(%arg10 : memref<125x128xf32, #tpu.memory_space<vmem>>) dst(%dma_wait3A_52 : memref<10000x128xf32, #tpu.memory_space<vmem_shared>>)
        tpu.yield
      }) : () -> ()
    }
    %scan3A_14 = arith.constant 80 : i32
    %barrier3A_15 = arith.constant 0 : index
    tpu.barrier barrier_id(%barrier3A_15)
    %lt3A_16 = arith.constant 15 : i32
    %lt3A_17 = arith.cmpi slt, %arg1, %lt3A_16 : i32
    %convert_element_type3A_18 = arith.extui %lt3A_17 : i1 to i32
    %cond3A_19 = arith.constant 0 : i32
    %cond3A_20 = arith.cmpi ne, %convert_element_type3A_18, %cond3A_19 : i32
    scf.if %cond3A_20 {
      %mul3A_26 = arith.constant 640 : i32
      %mul3A_27 = arith.muli %arg1, %mul3A_26 : i32
      %multiple_of3A = tpu.assume_multiple %mul3A_27, 8 : i32
      "tpu.region"() ({
        %run_scoped3A = tpu.sem_alloc : memref<!tpu.dma_semaphore, #tpu.memory_space<semaphore_mem>>
        %dma_start3A = arith.constant 0 : i32
        %dma_start3A_28 = tpu.memref_slice %arg7[%arg0, %multiple_of3A, %dma_start3A] : memref<2x10000x128xf32, #tpu.memory_space<hbm>> -> memref<1x640x128xf32, #tpu.memory_space<hbm>>
        %dma_start3A_29 = tpu.memref_squeeze %dma_start3A_28 : memref<1x640x128xf32, #tpu.memory_space<hbm>> -> memref<640x128xf32, #tpu.memory_space<hbm>>
        %dma_start3A_30 = arith.constant 0 : i32
        %dma_start3A_31 = tpu.memref_slice %arg12[%multiple_of3A, %dma_start3A_30] : memref<10000x128xf32, #tpu.memory_space<vmem_shared>> -> memref<640x128xf32, #tpu.memory_space<vmem_shared>>
        tpu.enqueue_dma source(%dma_start3A_31 : memref<640x128xf32, #tpu.memory_space<vmem_shared>>) target(%dma_start3A_29 : memref<640x128xf32, #tpu.memory_space<hbm>>) target_semaphore(%run_scoped3A : memref<!tpu.dma_semaphore, #tpu.memory_space<semaphore_mem>>)
        %dma_wait3A = arith.constant 0 : i32
        %dma_wait3A_32 = tpu.memref_slice %arg7[%arg0, %multiple_of3A, %dma_wait3A] : memref<2x10000x128xf32, #tpu.memory_space<hbm>> -> memref<1x640x128xf32, #tpu.memory_space<hbm>>
        %dma_wait3A_33 = tpu.memref_squeeze %dma_wait3A_32 : memref<1x640x128xf32, #tpu.memory_space<hbm>> -> memref<640x128xf32, #tpu.memory_space<hbm>>
        %dma_wait3A_34 = arith.constant 0 : i32
        %dma_wait3A_35 = tpu.memref_slice %arg12[%multiple_of3A, %dma_wait3A_34] : memref<10000x128xf32, #tpu.memory_space<vmem_shared>> -> memref<640x128xf32, #tpu.memory_space<vmem_shared>>
        tpu.wait_dma2 semaphore(%run_scoped3A : memref<!tpu.dma_semaphore, #tpu.memory_space<semaphore_mem>>) src(%dma_wait3A_35 : memref<640x128xf32, #tpu.memory_space<vmem_shared>>) dst(%dma_wait3A_33 : memref<640x128xf32, #tpu.memory_space<hbm>>)
        tpu.yield
      }) : () -> ()
    } else {
    }
    %eq3A_21 = arith.constant 15 : i32
    %eq3A_22 = arith.cmpi eq, %arg1, %eq3A_21 : i32
    %convert_element_type3A_23 = arith.extui %eq3A_22 : i1 to i32
    %cond3A_24 = arith.constant 0 : i32
    %cond3A_25 = arith.cmpi ne, %convert_element_type3A_23, %cond3A_24 : i32
    scf.if %cond3A_25 {
      "tpu.region"() ({
        %run_scoped3A = tpu.sem_alloc : memref<!tpu.dma_semaphore, #tpu.memory_space<semaphore_mem>>
        %dma_start3A = arith.constant 9600 : i32
        %dma_start3A_26 = arith.constant 0 : i32
        %dma_start3A_27 = tpu.memref_slice %arg7[%arg0, %dma_start3A, %dma_start3A_26] : memref<2x10000x128xf32, #tpu.memory_space<hbm>> -> memref<1x400x128xf32, #tpu.memory_space<hbm>>
        %dma_start3A_28 = tpu.memref_squeeze %dma_start3A_27 : memref<1x400x128xf32, #tpu.memory_space<hbm>> -> memref<400x128xf32, #tpu.memory_space<hbm>>
        %dma_start3A_29 = arith.constant 9600 : i32
        %dma_start3A_30 = arith.constant 0 : i32
        %dma_start3A_31 = tpu.memref_slice %arg12[%dma_start3A_29, %dma_start3A_30] : memref<10000x128xf32, #tpu.memory_space<vmem_shared>> -> memref<400x128xf32, #tpu.memory_space<vmem_shared>>
        tpu.enqueue_dma source(%dma_start3A_31 : memref<400x128xf32, #tpu.memory_space<vmem_shared>>) target(%dma_start3A_28 : memref<400x128xf32, #tpu.memory_space<hbm>>) target_semaphore(%run_scoped3A : memref<!tpu.dma_semaphore, #tpu.memory_space<semaphore_mem>>)
        %dma_wait3A = arith.constant 9600 : i32
        %dma_wait3A_32 = arith.constant 0 : i32
        %dma_wait3A_33 = tpu.memref_slice %arg7[%arg0, %dma_wait3A, %dma_wait3A_32] : memref<2x10000x128xf32, #tpu.memory_space<hbm>> -> memref<1x400x128xf32, #tpu.memory_space<hbm>>
        %dma_wait3A_34 = tpu.memref_squeeze %dma_wait3A_33 : memref<1x400x128xf32, #tpu.memory_space<hbm>> -> memref<400x128xf32, #tpu.memory_space<hbm>>
        %dma_wait3A_35 = arith.constant 9600 : i32
        %dma_wait3A_36 = arith.constant 0 : i32
        %dma_wait3A_37 = tpu.memref_slice %arg12[%dma_wait3A_35, %dma_wait3A_36] : memref<10000x128xf32, #tpu.memory_space<vmem_shared>> -> memref<400x128xf32, #tpu.memory_space<vmem_shared>>
        tpu.wait_dma2 semaphore(%run_scoped3A : memref<!tpu.dma_semaphore, #tpu.memory_space<semaphore_mem>>) src(%dma_wait3A_37 : memref<400x128xf32, #tpu.memory_space<vmem_shared>>) dst(%dma_wait3A_34 : memref<400x128xf32, #tpu.memory_space<hbm>>)
        tpu.yield
      }) : () -> ()
    } else {
    }
    return
  }
}

#map = affine_map<(d0, d1) -> (0, 0)>
#map1 = affine_map<(d0, d1) -> (0, 0, 0)>
module attributes {stable_mosaic.version = 14 : i64} {
  func.func @_sc_spmm(%arg0: i32, %arg1: i32, %arg2: memref<2560x125xi32, #tpu.memory_space<hbm>>, %arg3: memref<2560x125xi32, #tpu.memory_space<hbm>>, %arg4: memref<10000x128xf32, #tpu.memory_space<hbm>>, %arg5: memref<640x128xf32, #tpu.memory_space<hbm>>, %arg6: memref<125x128xf32, #tpu.memory_space<hbm>>, %arg7: memref<2x10000x128xf32, #tpu.memory_space<hbm>>, %arg8: memref<80x125xi32, #tpu.memory_space<vmem>>, %arg9: memref<80x125xi32, #tpu.memory_space<vmem>>, %arg10: memref<125x128xf32, #tpu.memory_space<vmem>>, %arg11: memref<125x128xf32, #tpu.memory_space<vmem>>, %arg12: memref<10000x128xf32, #tpu.memory_space<vmem_shared>>, %arg13: memref<!tpu.dma_semaphore, #tpu.memory_space<semaphore_mem>>, %arg14: memref<!tpu.dma_semaphore, #tpu.memory_space<semaphore_mem>>) attributes {dimension_semantics = [#tpu.dimension_semantics<core_parallel>, #tpu.dimension_semantics<subcore_parallel>], iteration_bounds = array<i64: 2, 16>, scalar_prefetch = 0 : i64, scratch_operands = 7 : i64, tpu.core_type = #tpu.core_type<sc_vector_subcore>, window_params = [{transform_indices = #map}, {transform_indices = #map}, {transform_indices = #map}, {transform_indices = #map}, {transform_indices = #map}, {transform_indices = #map1}]} {
    %mul3A = arith.constant 2 : i32
    %mul3A_0 = arith.muli %arg1, %mul3A : i32
    %add3A = arith.addi %mul3A_0, %arg0 : i32
    %lt3A = arith.constant 15 : i32
    %lt3A_1 = arith.cmpi slt, %arg1, %lt3A : i32
    %convert_element_type3A = arith.extui %lt3A_1 : i1 to i32
    %cond3A = arith.constant 0 : i32
    %cond3A_2 = arith.cmpi ne, %convert_element_type3A, %cond3A : i32
    scf.if %cond3A_2 {
      %mul3A_26 = arith.constant 640 : i32
      %mul3A_27 = arith.muli %arg1, %mul3A_26 : i32
      %multiple_of3A = tpu.assume_multiple %mul3A_27, 8 : i32
      "tpu.region"() ({
        %run_scoped3A = tpu.sem_alloc : memref<!tpu.dma_semaphore, #tpu.memory_space<semaphore_mem>>
        %dma_start3A = arith.constant 0 : i32
        %dma_start3A_28 = tpu.memref_slice %arg12[%multiple_of3A, %dma_start3A] : memref<10000x128xf32, #tpu.memory_space<vmem_shared>> -> memref<640x128xf32, #tpu.memory_space<vmem_shared>>
        tpu.enqueue_dma source(%arg5 : memref<640x128xf32, #tpu.memory_space<hbm>>) target(%dma_start3A_28 : memref<640x128xf32, #tpu.memory_space<vmem_shared>>) target_semaphore(%run_scoped3A : memref<!tpu.dma_semaphore, #tpu.memory_space<semaphore_mem>>)
        %dma_wait3A = arith.constant 0 : i32
        %dma_wait3A_29 = tpu.memref_slice %arg12[%multiple_of3A, %dma_wait3A] : memref<10000x128xf32, #tpu.memory_space<vmem_shared>> -> memref<640x128xf32, #tpu.memory_space<vmem_shared>>
        tpu.wait_dma2 semaphore(%run_scoped3A : memref<!tpu.dma_semaphore, #tpu.memory_space<semaphore_mem>>) src(%arg5 : memref<640x128xf32, #tpu.memory_space<hbm>>) dst(%dma_wait3A_29 : memref<640x128xf32, #tpu.memory_space<vmem_shared>>)
        tpu.yield
      }) : () -> ()
    } else {
    }
    %eq3A = arith.constant 15 : i32
    %eq3A_3 = arith.cmpi eq, %arg1, %eq3A : i32
    %convert_element_type3A_4 = arith.extui %eq3A_3 : i1 to i32
    %cond3A_5 = arith.constant 0 : i32
    %cond3A_6 = arith.cmpi ne, %convert_element_type3A_4, %cond3A_5 : i32
    scf.if %cond3A_6 {
      "tpu.region"() ({
        %run_scoped3A = tpu.sem_alloc : memref<!tpu.dma_semaphore, #tpu.memory_space<semaphore_mem>>
        %dma_start3A = arith.constant 9600 : i32
        %dma_start3A_26 = arith.constant 0 : i32
        %dma_start3A_27 = tpu.memref_slice %arg12[%dma_start3A, %dma_start3A_26] : memref<10000x128xf32, #tpu.memory_space<vmem_shared>> -> memref<400x128xf32, #tpu.memory_space<vmem_shared>>
        %dma_start3A_28 = arith.constant 0 : i32
        %dma_start3A_29 = arith.constant 0 : i32
        %dma_start3A_30 = tpu.memref_slice %arg5[%dma_start3A_28, %dma_start3A_29] : memref<640x128xf32, #tpu.memory_space<hbm>> -> memref<400x128xf32, #tpu.memory_space<hbm>>
        tpu.enqueue_dma source(%dma_start3A_30 : memref<400x128xf32, #tpu.memory_space<hbm>>) target(%dma_start3A_27 : memref<400x128xf32, #tpu.memory_space<vmem_shared>>) target_semaphore(%run_scoped3A : memref<!tpu.dma_semaphore, #tpu.memory_space<semaphore_mem>>)
        %dma_wait3A = arith.constant 9600 : i32
        %dma_wait3A_31 = arith.constant 0 : i32
        %dma_wait3A_32 = tpu.memref_slice %arg12[%dma_wait3A, %dma_wait3A_31] : memref<10000x128xf32, #tpu.memory_space<vmem_shared>> -> memref<400x128xf32, #tpu.memory_space<vmem_shared>>
        %dma_wait3A_33 = arith.constant 0 : i32
        %dma_wait3A_34 = arith.constant 0 : i32
        %dma_wait3A_35 = tpu.memref_slice %arg5[%dma_wait3A_33, %dma_wait3A_34] : memref<640x128xf32, #tpu.memory_space<hbm>> -> memref<400x128xf32, #tpu.memory_space<hbm>>
        tpu.wait_dma2 semaphore(%run_scoped3A : memref<!tpu.dma_semaphore, #tpu.memory_space<semaphore_mem>>) src(%dma_wait3A_35 : memref<400x128xf32, #tpu.memory_space<hbm>>) dst(%dma_wait3A_32 : memref<400x128xf32, #tpu.memory_space<vmem_shared>>)
        tpu.yield
      }) : () -> ()
    } else {
    }
    %mul3A_7 = arith.constant 80 : i32
    %mul3A_8 = arith.muli %add3A, %mul3A_7 : i32
    "tpu.region"() ({
      %run_scoped3A = tpu.sem_alloc : memref<!tpu.dma_semaphore, #tpu.memory_space<semaphore_mem>>
      %dma_start3A = arith.constant 0 : i32
      %dma_start3A_26 = tpu.memref_slice %arg2[%mul3A_8, %dma_start3A] : memref<2560x125xi32, #tpu.memory_space<hbm>> -> memref<80x125xi32, #tpu.memory_space<hbm>>
      %dma_start3A_27 = arith.constant 0 : i32
      %dma_start3A_28 = tpu.memref_slice %arg2[%mul3A_8, %dma_start3A_27] : memref<2560x125xi32, #tpu.memory_space<hbm>> -> memref<80x125xi32, #tpu.memory_space<hbm>>
      tpu.enqueue_dma source(%dma_start3A_28 : memref<80x125xi32, #tpu.memory_space<hbm>>) target(%arg8 : memref<80x125xi32, #tpu.memory_space<vmem>>) target_semaphore(%run_scoped3A : memref<!tpu.dma_semaphore, #tpu.memory_space<semaphore_mem>>)
      %dma_wait3A = arith.constant 0 : i32
      %dma_wait3A_29 = tpu.memref_slice %arg2[%mul3A_8, %dma_wait3A] : memref<2560x125xi32, #tpu.memory_space<hbm>> -> memref<80x125xi32, #tpu.memory_space<hbm>>
      %dma_wait3A_30 = arith.constant 0 : i32
      %dma_wait3A_31 = tpu.memref_slice %arg2[%mul3A_8, %dma_wait3A_30] : memref<2560x125xi32, #tpu.memory_space<hbm>> -> memref<80x125xi32, #tpu.memory_space<hbm>>
      tpu.wait_dma2 semaphore(%run_scoped3A : memref<!tpu.dma_semaphore, #tpu.memory_space<semaphore_mem>>) src(%dma_wait3A_31 : memref<80x125xi32, #tpu.memory_space<hbm>>) dst(%arg8 : memref<80x125xi32, #tpu.memory_space<vmem>>)
      tpu.yield
    }) : () -> ()
    %mul3A_9 = arith.constant 80 : i32
    %mul3A_10 = arith.muli %add3A, %mul3A_9 : i32
    "tpu.region"() ({
      %run_scoped3A = tpu.sem_alloc : memref<!tpu.dma_semaphore, #tpu.memory_space<semaphore_mem>>
      %dma_start3A = arith.constant 0 : i32
      %dma_start3A_26 = tpu.memref_slice %arg3[%mul3A_10, %dma_start3A] : memref<2560x125xi32, #tpu.memory_space<hbm>> -> memref<80x125xi32, #tpu.memory_space<hbm>>
      %dma_start3A_27 = arith.constant 0 : i32
      %dma_start3A_28 = tpu.memref_slice %arg3[%mul3A_10, %dma_start3A_27] : memref<2560x125xi32, #tpu.memory_space<hbm>> -> memref<80x125xi32, #tpu.memory_space<hbm>>
      tpu.enqueue_dma source(%dma_start3A_28 : memref<80x125xi32, #tpu.memory_space<hbm>>) target(%arg9 : memref<80x125xi32, #tpu.memory_space<vmem>>) target_semaphore(%run_scoped3A : memref<!tpu.dma_semaphore, #tpu.memory_space<semaphore_mem>>)
      %dma_wait3A = arith.constant 0 : i32
      %dma_wait3A_29 = tpu.memref_slice %arg3[%mul3A_10, %dma_wait3A] : memref<2560x125xi32, #tpu.memory_space<hbm>> -> memref<80x125xi32, #tpu.memory_space<hbm>>
      %dma_wait3A_30 = arith.constant 0 : i32
      %dma_wait3A_31 = tpu.memref_slice %arg3[%mul3A_10, %dma_wait3A_30] : memref<2560x125xi32, #tpu.memory_space<hbm>> -> memref<80x125xi32, #tpu.memory_space<hbm>>
      tpu.wait_dma2 semaphore(%run_scoped3A : memref<!tpu.dma_semaphore, #tpu.memory_space<semaphore_mem>>) src(%dma_wait3A_31 : memref<80x125xi32, #tpu.memory_space<hbm>>) dst(%arg9 : memref<80x125xi32, #tpu.memory_space<vmem>>)
      tpu.yield
    }) : () -> ()
    %barrier3A = arith.constant 0 : index
    tpu.barrier barrier_id(%barrier3A)
    %scan3A = arith.constant 0 : i32
    %scan3A_11 = arith.constant 80 : i32
    %scan3A_12 = arith.addi %scan3A, %scan3A_11 : i32
    %scan3A_13 = arith.constant 1 : i32
    scf.for %scan3A_26 = %scan3A to %scan3A_12 step %scan3A_13  : i32 {
      %mul3A_27 = arith.constant 1 : i32
      %mul3A_28 = arith.muli %scan3A_26, %mul3A_27 : i32
      %add3A_29 = arith.constant 0 : i32
      %add3A_30 = arith.addi %add3A_29, %mul3A_28 : i32
      %dma_start3A = arith.constant 0 : i32
      %dma_start3A_31 = tpu.memref_slice %arg8[%add3A_30, %dma_start3A] : memref<80x125xi32, #tpu.memory_space<vmem>> -> memref<1x125xi32, #tpu.memory_space<vmem>>
      %dma_start3A_32 = tpu.memref_squeeze %dma_start3A_31 : memref<1x125xi32, #tpu.memory_space<vmem>> -> memref<125xi32, #tpu.memory_space<vmem>>
      %dma_start3A_33 = arith.constant 0 : i32
      %dma_start3A_34 = arith.constant 0 : i32
      %dma_start3A_35 = tpu.memref_slice %arg4[%dma_start3A_33, %dma_start3A_34] : memref<10000x128xf32, #tpu.memory_space<hbm>> -> memref<10000x128xf32, #tpu.memory_space<hbm>>
      tpu.enqueue_indirect_dma source(%dma_start3A_35 : memref<10000x128xf32, #tpu.memory_space<hbm>>) target(%arg10 : memref<125x128xf32, #tpu.memory_space<vmem>>) offsets(%dma_start3A_32 : memref<125xi32, #tpu.memory_space<vmem>>) semaphore(%arg13 : memref<!tpu.dma_semaphore, #tpu.memory_space<semaphore_mem>>)
      %dma_wait3A = arith.constant 0 : i32
      %dma_wait3A_36 = tpu.memref_slice %arg8[%add3A_30, %dma_wait3A] : memref<80x125xi32, #tpu.memory_space<vmem>> -> memref<1x125xi32, #tpu.memory_space<vmem>>
      %dma_wait3A_37 = tpu.memref_squeeze %dma_wait3A_36 : memref<1x125xi32, #tpu.memory_space<vmem>> -> memref<125xi32, #tpu.memory_space<vmem>>
      %dma_wait3A_38 = arith.constant 0 : i32
      %dma_wait3A_39 = arith.constant 0 : i32
      %dma_wait3A_40 = tpu.memref_slice %arg4[%dma_wait3A_38, %dma_wait3A_39] : memref<10000x128xf32, #tpu.memory_space<hbm>> -> memref<10000x128xf32, #tpu.memory_space<hbm>>
      tpu.wait_indirect_dma semaphore(%arg13 : memref<!tpu.dma_semaphore, #tpu.memory_space<semaphore_mem>>) src(%dma_wait3A_40 : memref<10000x128xf32, #tpu.memory_space<hbm>>) dst(%arg10 : memref<125x128xf32, #tpu.memory_space<vmem>>)
      "tpu.region"() ({
        %run_scoped3A = tpu.sem_alloc : memref<!tpu.dma_semaphore, #tpu.memory_space<semaphore_mem>>
        %dma_start3A_41 = arith.constant 0 : i32
        %dma_start3A_42 = tpu.memref_slice %arg9[%add3A_30, %dma_start3A_41] : memref<80x125xi32, #tpu.memory_space<vmem>> -> memref<1x125xi32, #tpu.memory_space<vmem>>
        %dma_start3A_43 = tpu.memref_squeeze %dma_start3A_42 : memref<1x125xi32, #tpu.memory_space<vmem>> -> memref<125xi32, #tpu.memory_space<vmem>>
        %dma_start3A_44 = arith.constant 0 : i32
        %dma_start3A_45 = arith.constant 0 : i32
        %dma_start3A_46 = tpu.memref_slice %arg12[%dma_start3A_44, %dma_start3A_45] : memref<10000x128xf32, #tpu.memory_space<vmem_shared>> -> memref<10000x128xf32, #tpu.memory_space<vmem_shared>>
        tpu.enqueue_indirect_dma source(%arg10 : memref<125x128xf32, #tpu.memory_space<vmem>>) target(%dma_start3A_46 : memref<10000x128xf32, #tpu.memory_space<vmem_shared>>) offsets(%dma_start3A_43 : memref<125xi32, #tpu.memory_space<vmem>>) semaphore(%run_scoped3A : memref<!tpu.dma_semaphore, #tpu.memory_space<semaphore_mem>>) {add = true}
        %dma_wait3A_47 = arith.constant 0 : i32
        %dma_wait3A_48 = tpu.memref_slice %arg9[%add3A_30, %dma_wait3A_47] : memref<80x125xi32, #tpu.memory_space<vmem>> -> memref<1x125xi32, #tpu.memory_space<vmem>>
        %dma_wait3A_49 = tpu.memref_squeeze %dma_wait3A_48 : memref<1x125xi32, #tpu.memory_space<vmem>> -> memref<125xi32, #tpu.memory_space<vmem>>
        %dma_wait3A_50 = arith.constant 0 : i32
        %dma_wait3A_51 = arith.constant 0 : i32
        %dma_wait3A_52 = tpu.memref_slice %arg12[%dma_wait3A_50, %dma_wait3A_51] : memref<10000x128xf32, #tpu.memory_space<vmem_shared>> -> memref<10000x128xf32, #tpu.memory_space<vmem_shared>>
        tpu.wait_indirect_dma semaphore(%run_scoped3A : memref<!tpu.dma_semaphore, #tpu.memory_space<semaphore_mem>>) src(%arg10 : memref<125x128xf32, #tpu.memory_space<vmem>>) dst(%dma_wait3A_52 : memref<10000x128xf32, #tpu.memory_space<vmem_shared>>)
        tpu.yield
      }) : () -> ()
    }
    %scan3A_14 = arith.constant 80 : i32
    %barrier3A_15 = arith.constant 0 : index
    tpu.barrier barrier_id(%barrier3A_15)
    %lt3A_16 = arith.constant 15 : i32
    %lt3A_17 = arith.cmpi slt, %arg1, %lt3A_16 : i32
    %convert_element_type3A_18 = arith.extui %lt3A_17 : i1 to i32
    %cond3A_19 = arith.constant 0 : i32
    %cond3A_20 = arith.cmpi ne, %convert_element_type3A_18, %cond3A_19 : i32
    scf.if %cond3A_20 {
      %mul3A_26 = arith.constant 640 : i32
      %mul3A_27 = arith.muli %arg1, %mul3A_26 : i32
      %multiple_of3A = tpu.assume_multiple %mul3A_27, 8 : i32
      "tpu.region"() ({
        %run_scoped3A = tpu.sem_alloc : memref<!tpu.dma_semaphore, #tpu.memory_space<semaphore_mem>>
        %dma_start3A = arith.constant 0 : i32
        %dma_start3A_28 = tpu.memref_slice %arg7[%arg0, %multiple_of3A, %dma_start3A] : memref<2x10000x128xf32, #tpu.memory_space<hbm>> -> memref<1x640x128xf32, #tpu.memory_space<hbm>>
        %dma_start3A_29 = tpu.memref_squeeze %dma_start3A_28 : memref<1x640x128xf32, #tpu.memory_space<hbm>> -> memref<640x128xf32, #tpu.memory_space<hbm>>
        %dma_start3A_30 = arith.constant 0 : i32
        %dma_start3A_31 = tpu.memref_slice %arg12[%multiple_of3A, %dma_start3A_30] : memref<10000x128xf32, #tpu.memory_space<vmem_shared>> -> memref<640x128xf32, #tpu.memory_space<vmem_shared>>
        tpu.enqueue_dma source(%dma_start3A_31 : memref<640x128xf32, #tpu.memory_space<vmem_shared>>) target(%dma_start3A_29 : memref<640x128xf32, #tpu.memory_space<hbm>>) target_semaphore(%run_scoped3A : memref<!tpu.dma_semaphore, #tpu.memory_space<semaphore_mem>>)
        %dma_wait3A = arith.constant 0 : i32
        %dma_wait3A_32 = tpu.memref_slice %arg7[%arg0, %multiple_of3A, %dma_wait3A] : memref<2x10000x128xf32, #tpu.memory_space<hbm>> -> memref<1x640x128xf32, #tpu.memory_space<hbm>>
        %dma_wait3A_33 = tpu.memref_squeeze %dma_wait3A_32 : memref<1x640x128xf32, #tpu.memory_space<hbm>> -> memref<640x128xf32, #tpu.memory_space<hbm>>
        %dma_wait3A_34 = arith.constant 0 : i32
        %dma_wait3A_35 = tpu.memref_slice %arg12[%multiple_of3A, %dma_wait3A_34] : memref<10000x128xf32, #tpu.memory_space<vmem_shared>> -> memref<640x128xf32, #tpu.memory_space<vmem_shared>>
        tpu.wait_dma2 semaphore(%run_scoped3A : memref<!tpu.dma_semaphore, #tpu.memory_space<semaphore_mem>>) src(%dma_wait3A_35 : memref<640x128xf32, #tpu.memory_space<vmem_shared>>) dst(%dma_wait3A_33 : memref<640x128xf32, #tpu.memory_space<hbm>>)
        tpu.yield
      }) : () -> ()
    } else {
    }
    %eq3A_21 = arith.constant 15 : i32
    %eq3A_22 = arith.cmpi eq, %arg1, %eq3A_21 : i32
    %convert_element_type3A_23 = arith.extui %eq3A_22 : i1 to i32
    %cond3A_24 = arith.constant 0 : i32
    %cond3A_25 = arith.cmpi ne, %convert_element_type3A_23, %cond3A_24 : i32
    scf.if %cond3A_25 {
      "tpu.region"() ({
        %run_scoped3A = tpu.sem_alloc : memref<!tpu.dma_semaphore, #tpu.memory_space<semaphore_mem>>
        %dma_start3A = arith.constant 9600 : i32
        %dma_start3A_26 = arith.constant 0 : i32
        %dma_start3A_27 = tpu.memref_slice %arg7[%arg0, %dma_start3A, %dma_start3A_26] : memref<2x10000x128xf32, #tpu.memory_space<hbm>> -> memref<1x400x128xf32, #tpu.memory_space<hbm>>
        %dma_start3A_28 = tpu.memref_squeeze %dma_start3A_27 : memref<1x400x128xf32, #tpu.memory_space<hbm>> -> memref<400x128xf32, #tpu.memory_space<hbm>>
        %dma_start3A_29 = arith.constant 9600 : i32
        %dma_start3A_30 = arith.constant 0 : i32
        %dma_start3A_31 = tpu.memref_slice %arg12[%dma_start3A_29, %dma_start3A_30] : memref<10000x128xf32, #tpu.memory_space<vmem_shared>> -> memref<400x128xf32, #tpu.memory_space<vmem_shared>>
        tpu.enqueue_dma source(%dma_start3A_31 : memref<400x128xf32, #tpu.memory_space<vmem_shared>>) target(%dma_start3A_28 : memref<400x128xf32, #tpu.memory_space<hbm>>) target_semaphore(%run_scoped3A : memref<!tpu.dma_semaphore, #tpu.memory_space<semaphore_mem>>)
        %dma_wait3A = arith.constant 9600 : i32
        %dma_wait3A_32 = arith.constant 0 : i32
        %dma_wait3A_33 = tpu.memref_slice %arg7[%arg0, %dma_wait3A, %dma_wait3A_32] : memref<2x10000x128xf32, #tpu.memory_space<hbm>> -> memref<1x400x128xf32, #tpu.memory_space<hbm>>
        %dma_wait3A_34 = tpu.memref_squeeze %dma_wait3A_33 : memref<1x400x128xf32, #tpu.memory_space<hbm>> -> memref<400x128xf32, #tpu.memory_space<hbm>>
        %dma_wait3A_35 = arith.constant 9600 : i32
        %dma_wait3A_36 = arith.constant 0 : i32
        %dma_wait3A_37 = tpu.memref_slice %arg12[%dma_wait3A_35, %dma_wait3A_36] : memref<10000x128xf32, #tpu.memory_space<vmem_shared>> -> memref<400x128xf32, #tpu.memory_space<vmem_shared>>
        tpu.wait_dma2 semaphore(%run_scoped3A : memref<!tpu.dma_semaphore, #tpu.memory_space<semaphore_mem>>) src(%dma_wait3A_37 : memref<400x128xf32, #tpu.memory_space<vmem_shared>>) dst(%dma_wait3A_34 : memref<400x128xf32, #tpu.memory_space<hbm>>)
        tpu.yield
      }) : () -> ()
    } else {
    }
    return
  }
}

#map = affine_map<(d0, d1) -> (0, 0)>
#map1 = affine_map<(d0, d1) -> (0)>
module attributes {stable_mosaic.version = 14 : i64} {
  func.func @_sc_deg(%arg0: i32, %arg1: i32, %arg2: memref<2560x125xi32, #tpu.memory_space<hbm>>, %arg3: memref<640xf32, #tpu.memory_space<hbm>>, %arg4: memref<125xf32, #tpu.memory_space<hbm>>, %arg5: memref<20000xf32, #tpu.memory_space<hbm>>, %arg6: memref<80x125xi32, #tpu.memory_space<vmem>>, %arg7: memref<125xf32, #tpu.memory_space<vmem>>, %arg8: memref<640xf32, #tpu.memory_space<vmem>>, %arg9: memref<10000xf32, #tpu.memory_space<vmem_shared>>) attributes {dimension_semantics = [#tpu.dimension_semantics<core_parallel>, #tpu.dimension_semantics<subcore_parallel>], iteration_bounds = array<i64: 2, 16>, scalar_prefetch = 0 : i64, scratch_operands = 4 : i64, tpu.core_type = #tpu.core_type<sc_vector_subcore>, window_params = [{transform_indices = #map}, {transform_indices = #map1}, {transform_indices = #map1}, {transform_indices = #map1}]} {
    %mul3A = arith.constant 2 : i32
    %mul3A_0 = arith.muli %arg1, %mul3A : i32
    %add3A = arith.addi %mul3A_0, %arg0 : i32
    "tpu.region"() ({
      %run_scoped3A = tpu.sem_alloc : memref<!tpu.dma_semaphore, #tpu.memory_space<semaphore_mem>>
      tpu.enqueue_dma source(%arg3 : memref<640xf32, #tpu.memory_space<hbm>>) target(%arg8 : memref<640xf32, #tpu.memory_space<vmem>>) target_semaphore(%run_scoped3A : memref<!tpu.dma_semaphore, #tpu.memory_space<semaphore_mem>>)
      tpu.wait_dma2 semaphore(%run_scoped3A : memref<!tpu.dma_semaphore, #tpu.memory_space<semaphore_mem>>) src(%arg3 : memref<640xf32, #tpu.memory_space<hbm>>) dst(%arg8 : memref<640xf32, #tpu.memory_space<vmem>>)
      tpu.yield
    }) : () -> ()
    %lt3A = arith.constant 15 : i32
    %lt3A_1 = arith.cmpi slt, %arg1, %lt3A : i32
    %convert_element_type3A = arith.extui %lt3A_1 : i1 to i32
    %cond3A = arith.constant 0 : i32
    %cond3A_2 = arith.cmpi ne, %convert_element_type3A, %cond3A : i32
    scf.if %cond3A_2 {
      %mul3A_24 = arith.constant 640 : i32
      %mul3A_25 = arith.muli %arg1, %mul3A_24 : i32
      %multiple_of3A = tpu.assume_multiple %mul3A_25, 8 : i32
      "tpu.region"() ({
        %run_scoped3A = tpu.sem_alloc : memref<!tpu.dma_semaphore, #tpu.memory_space<semaphore_mem>>
        %dma_start3A = tpu.memref_slice %arg9[%multiple_of3A] : memref<10000xf32, #tpu.memory_space<vmem_shared>> -> memref<640xf32, #tpu.memory_space<vmem_shared>>
        %dma_start3A_26 = tpu.memref_slice %arg9[%multiple_of3A] : memref<10000xf32, #tpu.memory_space<vmem_shared>> -> memref<640xf32, #tpu.memory_space<vmem_shared>>
        tpu.enqueue_dma source(%arg8 : memref<640xf32, #tpu.memory_space<vmem>>) target(%dma_start3A_26 : memref<640xf32, #tpu.memory_space<vmem_shared>>) target_semaphore(%run_scoped3A : memref<!tpu.dma_semaphore, #tpu.memory_space<semaphore_mem>>)
        %dma_wait3A = tpu.memref_slice %arg9[%multiple_of3A] : memref<10000xf32, #tpu.memory_space<vmem_shared>> -> memref<640xf32, #tpu.memory_space<vmem_shared>>
        %dma_wait3A_27 = tpu.memref_slice %arg9[%multiple_of3A] : memref<10000xf32, #tpu.memory_space<vmem_shared>> -> memref<640xf32, #tpu.memory_space<vmem_shared>>
        tpu.wait_dma2 semaphore(%run_scoped3A : memref<!tpu.dma_semaphore, #tpu.memory_space<semaphore_mem>>) src(%arg8 : memref<640xf32, #tpu.memory_space<vmem>>) dst(%dma_wait3A_27 : memref<640xf32, #tpu.memory_space<vmem_shared>>)
        tpu.yield
      }) : () -> ()
    } else {
    }
    %eq3A = arith.constant 15 : i32
    %eq3A_3 = arith.cmpi eq, %arg1, %eq3A : i32
    %convert_element_type3A_4 = arith.extui %eq3A_3 : i1 to i32
    %cond3A_5 = arith.constant 0 : i32
    %cond3A_6 = arith.cmpi ne, %convert_element_type3A_4, %cond3A_5 : i32
    scf.if %cond3A_6 {
      "tpu.region"() ({
        %run_scoped3A = tpu.sem_alloc : memref<!tpu.dma_semaphore, #tpu.memory_space<semaphore_mem>>
        %dma_start3A = arith.constant 0 : i32
        %dma_start3A_24 = tpu.memref_slice %arg8[%dma_start3A] : memref<640xf32, #tpu.memory_space<vmem>> -> memref<400xf32, #tpu.memory_space<vmem>>
        %dma_start3A_25 = arith.constant 9600 : i32
        %dma_start3A_26 = tpu.memref_slice %arg9[%dma_start3A_25] : memref<10000xf32, #tpu.memory_space<vmem_shared>> -> memref<400xf32, #tpu.memory_space<vmem_shared>>
        %dma_start3A_27 = arith.constant 9600 : i32
        %dma_start3A_28 = tpu.memref_slice %arg9[%dma_start3A_27] : memref<10000xf32, #tpu.memory_space<vmem_shared>> -> memref<400xf32, #tpu.memory_space<vmem_shared>>
        %dma_start3A_29 = arith.constant 0 : i32
        %dma_start3A_30 = tpu.memref_slice %arg8[%dma_start3A_29] : memref<640xf32, #tpu.memory_space<vmem>> -> memref<400xf32, #tpu.memory_space<vmem>>
        tpu.enqueue_dma source(%dma_start3A_30 : memref<400xf32, #tpu.memory_space<vmem>>) target(%dma_start3A_28 : memref<400xf32, #tpu.memory_space<vmem_shared>>) target_semaphore(%run_scoped3A : memref<!tpu.dma_semaphore, #tpu.memory_space<semaphore_mem>>)
        %dma_wait3A = arith.constant 0 : i32
        %dma_wait3A_31 = tpu.memref_slice %arg8[%dma_wait3A] : memref<640xf32, #tpu.memory_space<vmem>> -> memref<400xf32, #tpu.memory_space<vmem>>
        %dma_wait3A_32 = arith.constant 9600 : i32
        %dma_wait3A_33 = tpu.memref_slice %arg9[%dma_wait3A_32] : memref<10000xf32, #tpu.memory_space<vmem_shared>> -> memref<400xf32, #tpu.memory_space<vmem_shared>>
        %dma_wait3A_34 = arith.constant 9600 : i32
        %dma_wait3A_35 = tpu.memref_slice %arg9[%dma_wait3A_34] : memref<10000xf32, #tpu.memory_space<vmem_shared>> -> memref<400xf32, #tpu.memory_space<vmem_shared>>
        %dma_wait3A_36 = arith.constant 0 : i32
        %dma_wait3A_37 = tpu.memref_slice %arg8[%dma_wait3A_36] : memref<640xf32, #tpu.memory_space<vmem>> -> memref<400xf32, #tpu.memory_space<vmem>>
        tpu.wait_dma2 semaphore(%run_scoped3A : memref<!tpu.dma_semaphore, #tpu.memory_space<semaphore_mem>>) src(%dma_wait3A_37 : memref<400xf32, #tpu.memory_space<vmem>>) dst(%dma_wait3A_35 : memref<400xf32, #tpu.memory_space<vmem_shared>>)
        tpu.yield
      }) : () -> ()
    } else {
    }
    "tpu.region"() ({
      %run_scoped3A = tpu.sem_alloc : memref<!tpu.dma_semaphore, #tpu.memory_space<semaphore_mem>>
      tpu.enqueue_dma source(%arg4 : memref<125xf32, #tpu.memory_space<hbm>>) target(%arg7 : memref<125xf32, #tpu.memory_space<vmem>>) target_semaphore(%run_scoped3A : memref<!tpu.dma_semaphore, #tpu.memory_space<semaphore_mem>>)
      tpu.wait_dma2 semaphore(%run_scoped3A : memref<!tpu.dma_semaphore, #tpu.memory_space<semaphore_mem>>) src(%arg4 : memref<125xf32, #tpu.memory_space<hbm>>) dst(%arg7 : memref<125xf32, #tpu.memory_space<vmem>>)
      tpu.yield
    }) : () -> ()
    %mul3A_7 = arith.constant 80 : i32
    %mul3A_8 = arith.muli %add3A, %mul3A_7 : i32
    "tpu.region"() ({
      %run_scoped3A = tpu.sem_alloc : memref<!tpu.dma_semaphore, #tpu.memory_space<semaphore_mem>>
      %dma_start3A = arith.constant 0 : i32
      %dma_start3A_24 = tpu.memref_slice %arg2[%mul3A_8, %dma_start3A] : memref<2560x125xi32, #tpu.memory_space<hbm>> -> memref<80x125xi32, #tpu.memory_space<hbm>>
      %dma_start3A_25 = arith.constant 0 : i32
      %dma_start3A_26 = tpu.memref_slice %arg2[%mul3A_8, %dma_start3A_25] : memref<2560x125xi32, #tpu.memory_space<hbm>> -> memref<80x125xi32, #tpu.memory_space<hbm>>
      tpu.enqueue_dma source(%dma_start3A_26 : memref<80x125xi32, #tpu.memory_space<hbm>>) target(%arg6 : memref<80x125xi32, #tpu.memory_space<vmem>>) target_semaphore(%run_scoped3A : memref<!tpu.dma_semaphore, #tpu.memory_space<semaphore_mem>>)
      %dma_wait3A = arith.constant 0 : i32
      %dma_wait3A_27 = tpu.memref_slice %arg2[%mul3A_8, %dma_wait3A] : memref<2560x125xi32, #tpu.memory_space<hbm>> -> memref<80x125xi32, #tpu.memory_space<hbm>>
      %dma_wait3A_28 = arith.constant 0 : i32
      %dma_wait3A_29 = tpu.memref_slice %arg2[%mul3A_8, %dma_wait3A_28] : memref<2560x125xi32, #tpu.memory_space<hbm>> -> memref<80x125xi32, #tpu.memory_space<hbm>>
      tpu.wait_dma2 semaphore(%run_scoped3A : memref<!tpu.dma_semaphore, #tpu.memory_space<semaphore_mem>>) src(%dma_wait3A_29 : memref<80x125xi32, #tpu.memory_space<hbm>>) dst(%arg6 : memref<80x125xi32, #tpu.memory_space<vmem>>)
      tpu.yield
    }) : () -> ()
    %barrier3A = arith.constant 0 : index
    tpu.barrier barrier_id(%barrier3A)
    %scan3A = arith.constant 0 : i32
    %scan3A_9 = arith.constant 80 : i32
    %scan3A_10 = arith.addi %scan3A, %scan3A_9 : i32
    %scan3A_11 = arith.constant 1 : i32
    scf.for %scan3A_24 = %scan3A to %scan3A_10 step %scan3A_11  : i32 {
      %mul3A_25 = arith.constant 1 : i32
      %mul3A_26 = arith.muli %scan3A_24, %mul3A_25 : i32
      %add3A_27 = arith.constant 0 : i32
      %add3A_28 = arith.addi %add3A_27, %mul3A_26 : i32
      "tpu.region"() ({
        %run_scoped3A = tpu.sem_alloc : memref<!tpu.dma_semaphore, #tpu.memory_space<semaphore_mem>>
        %dma_start3A = arith.constant 0 : i32
        %dma_start3A_29 = tpu.memref_slice %arg6[%add3A_28, %dma_start3A] : memref<80x125xi32, #tpu.memory_space<vmem>> -> memref<1x125xi32, #tpu.memory_space<vmem>>
        %dma_start3A_30 = tpu.memref_squeeze %dma_start3A_29 : memref<1x125xi32, #tpu.memory_space<vmem>> -> memref<125xi32, #tpu.memory_space<vmem>>
        %dma_start3A_31 = arith.constant 0 : i32
        %dma_start3A_32 = tpu.memref_slice %arg9[%dma_start3A_31] : memref<10000xf32, #tpu.memory_space<vmem_shared>> -> memref<10000xf32, #tpu.memory_space<vmem_shared>>
        tpu.enqueue_indirect_dma source(%arg7 : memref<125xf32, #tpu.memory_space<vmem>>) target(%dma_start3A_32 : memref<10000xf32, #tpu.memory_space<vmem_shared>>) offsets(%dma_start3A_30 : memref<125xi32, #tpu.memory_space<vmem>>) semaphore(%run_scoped3A : memref<!tpu.dma_semaphore, #tpu.memory_space<semaphore_mem>>) {add = true}
        %dma_wait3A = arith.constant 0 : i32
        %dma_wait3A_33 = tpu.memref_slice %arg6[%add3A_28, %dma_wait3A] : memref<80x125xi32, #tpu.memory_space<vmem>> -> memref<1x125xi32, #tpu.memory_space<vmem>>
        %dma_wait3A_34 = tpu.memref_squeeze %dma_wait3A_33 : memref<1x125xi32, #tpu.memory_space<vmem>> -> memref<125xi32, #tpu.memory_space<vmem>>
        %dma_wait3A_35 = arith.constant 0 : i32
        %dma_wait3A_36 = tpu.memref_slice %arg9[%dma_wait3A_35] : memref<10000xf32, #tpu.memory_space<vmem_shared>> -> memref<10000xf32, #tpu.memory_space<vmem_shared>>
        tpu.wait_indirect_dma semaphore(%run_scoped3A : memref<!tpu.dma_semaphore, #tpu.memory_space<semaphore_mem>>) src(%arg7 : memref<125xf32, #tpu.memory_space<vmem>>) dst(%dma_wait3A_36 : memref<10000xf32, #tpu.memory_space<vmem_shared>>)
        tpu.yield
      }) : () -> ()
    }
    %scan3A_12 = arith.constant 80 : i32
    %barrier3A_13 = arith.constant 0 : index
    tpu.barrier barrier_id(%barrier3A_13)
    %lt3A_14 = arith.constant 15 : i32
    %lt3A_15 = arith.cmpi slt, %arg1, %lt3A_14 : i32
    %convert_element_type3A_16 = arith.extui %lt3A_15 : i1 to i32
    %cond3A_17 = arith.constant 0 : i32
    %cond3A_18 = arith.cmpi ne, %convert_element_type3A_16, %cond3A_17 : i32
    scf.if %cond3A_18 {
      %mul3A_24 = arith.constant 640 : i32
      %mul3A_25 = arith.muli %arg1, %mul3A_24 : i32
      %multiple_of3A = tpu.assume_multiple %mul3A_25, 8 : i32
      %mul3A_26 = arith.constant 10000 : i32
      %mul3A_27 = arith.muli %arg0, %mul3A_26 : i32
      %mul3A_28 = arith.constant 640 : i32
      %mul3A_29 = arith.muli %arg1, %mul3A_28 : i32
      %add3A_30 = arith.addi %mul3A_27, %mul3A_29 : i32
      %multiple_of3A_31 = tpu.assume_multiple %add3A_30, 8 : i32
      "tpu.region"() ({
        %run_scoped3A = tpu.sem_alloc : memref<!tpu.dma_semaphore, #tpu.memory_space<semaphore_mem>>
        %dma_start3A = tpu.memref_slice %arg9[%multiple_of3A] : memref<10000xf32, #tpu.memory_space<vmem_shared>> -> memref<640xf32, #tpu.memory_space<vmem_shared>>
        %dma_start3A_32 = tpu.memref_slice %arg9[%multiple_of3A] : memref<10000xf32, #tpu.memory_space<vmem_shared>> -> memref<640xf32, #tpu.memory_space<vmem_shared>>
        tpu.enqueue_dma source(%dma_start3A_32 : memref<640xf32, #tpu.memory_space<vmem_shared>>) target(%arg8 : memref<640xf32, #tpu.memory_space<vmem>>) target_semaphore(%run_scoped3A : memref<!tpu.dma_semaphore, #tpu.memory_space<semaphore_mem>>)
        %dma_wait3A = tpu.memref_slice %arg9[%multiple_of3A] : memref<10000xf32, #tpu.memory_space<vmem_shared>> -> memref<640xf32, #tpu.memory_space<vmem_shared>>
        %dma_wait3A_33 = tpu.memref_slice %arg9[%multiple_of3A] : memref<10000xf32, #tpu.memory_space<vmem_shared>> -> memref<640xf32, #tpu.memory_space<vmem_shared>>
        tpu.wait_dma2 semaphore(%run_scoped3A : memref<!tpu.dma_semaphore, #tpu.memory_space<semaphore_mem>>) src(%dma_wait3A_33 : memref<640xf32, #tpu.memory_space<vmem_shared>>) dst(%arg8 : memref<640xf32, #tpu.memory_space<vmem>>)
        tpu.yield
      }) : () -> ()
      "tpu.region"() ({
        %run_scoped3A = tpu.sem_alloc : memref<!tpu.dma_semaphore, #tpu.memory_space<semaphore_mem>>
        %dma_start3A = tpu.memref_slice %arg5[%multiple_of3A_31] : memref<20000xf32, #tpu.memory_space<hbm>> -> memref<640xf32, #tpu.memory_space<hbm>>
        %dma_start3A_32 = tpu.memref_slice %arg5[%multiple_of3A_31] : memref<20000xf32, #tpu.memory_space<hbm>> -> memref<640xf32, #tpu.memory_space<hbm>>
        tpu.enqueue_dma source(%arg8 : memref<640xf32, #tpu.memory_space<vmem>>) target(%dma_start3A_32 : memref<640xf32, #tpu.memory_space<hbm>>) target_semaphore(%run_scoped3A : memref<!tpu.dma_semaphore, #tpu.memory_space<semaphore_mem>>)
        %dma_wait3A = tpu.memref_slice %arg5[%multiple_of3A_31] : memref<20000xf32, #tpu.memory_space<hbm>> -> memref<640xf32, #tpu.memory_space<hbm>>
        %dma_wait3A_33 = tpu.memref_slice %arg5[%multiple_of3A_31] : memref<20000xf32, #tpu.memory_space<hbm>> -> memref<640xf32, #tpu.memory_space<hbm>>
        tpu.wait_dma2 semaphore(%run_scoped3A : memref<!tpu.dma_semaphore, #tpu.memory_space<semaphore_mem>>) src(%arg8 : memref<640xf32, #tpu.memory_space<vmem>>) dst(%dma_wait3A_33 : memref<640xf32, #tpu.memory_space<hbm>>)
        tpu.yield
      }) : () -> ()
    } else {
    }
    %eq3A_19 = arith.constant 15 : i32
    %eq3A_20 = arith.cmpi eq, %arg1, %eq3A_19 : i32
    %convert_element_type3A_21 = arith.extui %eq3A_20 : i1 to i32
    %cond3A_22 = arith.constant 0 : i32
    %cond3A_23 = arith.cmpi ne, %convert_element_type3A_21, %cond3A_22 : i32
    scf.if %cond3A_23 {
      %mul3A_24 = arith.constant 10000 : i32
      %mul3A_25 = arith.muli %arg0, %mul3A_24 : i32
      %add3A_26 = arith.constant 9600 : i32
      %add3A_27 = arith.addi %mul3A_25, %add3A_26 : i32
      %multiple_of3A = tpu.assume_multiple %add3A_27, 8 : i32
      "tpu.region"() ({
        %run_scoped3A = tpu.sem_alloc : memref<!tpu.dma_semaphore, #tpu.memory_space<semaphore_mem>>
        %dma_start3A = arith.constant 0 : i32
        %dma_start3A_28 = tpu.memref_slice %arg8[%dma_start3A] : memref<640xf32, #tpu.memory_space<vmem>> -> memref<400xf32, #tpu.memory_space<vmem>>
        %dma_start3A_29 = arith.constant 9600 : i32
        %dma_start3A_30 = tpu.memref_slice %arg9[%dma_start3A_29] : memref<10000xf32, #tpu.memory_space<vmem_shared>> -> memref<400xf32, #tpu.memory_space<vmem_shared>>
        %dma_start3A_31 = arith.constant 0 : i32
        %dma_start3A_32 = tpu.memref_slice %arg8[%dma_start3A_31] : memref<640xf32, #tpu.memory_space<vmem>> -> memref<400xf32, #tpu.memory_space<vmem>>
        %dma_start3A_33 = arith.constant 9600 : i32
        %dma_start3A_34 = tpu.memref_slice %arg9[%dma_start3A_33] : memref<10000xf32, #tpu.memory_space<vmem_shared>> -> memref<400xf32, #tpu.memory_space<vmem_shared>>
        tpu.enqueue_dma source(%dma_start3A_34 : memref<400xf32, #tpu.memory_space<vmem_shared>>) target(%dma_start3A_32 : memref<400xf32, #tpu.memory_space<vmem>>) target_semaphore(%run_scoped3A : memref<!tpu.dma_semaphore, #tpu.memory_space<semaphore_mem>>)
        %dma_wait3A = arith.constant 0 : i32
        %dma_wait3A_35 = tpu.memref_slice %arg8[%dma_wait3A] : memref<640xf32, #tpu.memory_space<vmem>> -> memref<400xf32, #tpu.memory_space<vmem>>
        %dma_wait3A_36 = arith.constant 9600 : i32
        %dma_wait3A_37 = tpu.memref_slice %arg9[%dma_wait3A_36] : memref<10000xf32, #tpu.memory_space<vmem_shared>> -> memref<400xf32, #tpu.memory_space<vmem_shared>>
        %dma_wait3A_38 = arith.constant 0 : i32
        %dma_wait3A_39 = tpu.memref_slice %arg8[%dma_wait3A_38] : memref<640xf32, #tpu.memory_space<vmem>> -> memref<400xf32, #tpu.memory_space<vmem>>
        %dma_wait3A_40 = arith.constant 9600 : i32
        %dma_wait3A_41 = tpu.memref_slice %arg9[%dma_wait3A_40] : memref<10000xf32, #tpu.memory_space<vmem_shared>> -> memref<400xf32, #tpu.memory_space<vmem_shared>>
        tpu.wait_dma2 semaphore(%run_scoped3A : memref<!tpu.dma_semaphore, #tpu.memory_space<semaphore_mem>>) src(%dma_wait3A_41 : memref<400xf32, #tpu.memory_space<vmem_shared>>) dst(%dma_wait3A_39 : memref<400xf32, #tpu.memory_space<vmem>>)
        tpu.yield
      }) : () -> ()
      "tpu.region"() ({
        %run_scoped3A = tpu.sem_alloc : memref<!tpu.dma_semaphore, #tpu.memory_space<semaphore_mem>>
        %dma_start3A = arith.constant 0 : i32
        %dma_start3A_28 = tpu.memref_slice %arg8[%dma_start3A] : memref<640xf32, #tpu.memory_space<vmem>> -> memref<400xf32, #tpu.memory_space<vmem>>
        %dma_start3A_29 = tpu.memref_slice %arg5[%multiple_of3A] : memref<20000xf32, #tpu.memory_space<hbm>> -> memref<400xf32, #tpu.memory_space<hbm>>
        %dma_start3A_30 = tpu.memref_slice %arg5[%multiple_of3A] : memref<20000xf32, #tpu.memory_space<hbm>> -> memref<400xf32, #tpu.memory_space<hbm>>
        %dma_start3A_31 = arith.constant 0 : i32
        %dma_start3A_32 = tpu.memref_slice %arg8[%dma_start3A_31] : memref<640xf32, #tpu.memory_space<vmem>> -> memref<400xf32, #tpu.memory_space<vmem>>
        tpu.enqueue_dma source(%dma_start3A_32 : memref<400xf32, #tpu.memory_space<vmem>>) target(%dma_start3A_30 : memref<400xf32, #tpu.memory_space<hbm>>) target_semaphore(%run_scoped3A : memref<!tpu.dma_semaphore, #tpu.memory_space<semaphore_mem>>)
        %dma_wait3A = arith.constant 0 : i32
        %dma_wait3A_33 = tpu.memref_slice %arg8[%dma_wait3A] : memref<640xf32, #tpu.memory_space<vmem>> -> memref<400xf32, #tpu.memory_space<vmem>>
        %dma_wait3A_34 = tpu.memref_slice %arg5[%multiple_of3A] : memref<20000xf32, #tpu.memory_space<hbm>> -> memref<400xf32, #tpu.memory_space<hbm>>
        %dma_wait3A_35 = tpu.memref_slice %arg5[%multiple_of3A] : memref<20000xf32, #tpu.memory_space<hbm>> -> memref<400xf32, #tpu.memory_space<hbm>>
        %dma_wait3A_36 = arith.constant 0 : i32
        %dma_wait3A_37 = tpu.memref_slice %arg8[%dma_wait3A_36] : memref<640xf32, #tpu.memory_space<vmem>> -> memref<400xf32, #tpu.memory_space<vmem>>
        tpu.wait_dma2 semaphore(%run_scoped3A : memref<!tpu.dma_semaphore, #tpu.memory_space<semaphore_mem>>) src(%dma_wait3A_37 : memref<400xf32, #tpu.memory_space<vmem>>) dst(%dma_wait3A_35 : memref<400xf32, #tpu.memory_space<hbm>>)
        tpu.yield
      }) : () -> ()
    } else {
    }
    return
  }
}

module attributes {stable_mosaic.version = 14 : i64} {
  func.func @_mm1_body(%arg0: i32, %arg1: memref<2x400x1xf32, #tpu.memory_space<vmem>>, %arg2: memref<400x128xf32, #tpu.memory_space<vmem>>, %arg3: memref<128x128xf32, #tpu.memory_space<vmem>>, %arg4: memref<400x128xf32, #tpu.memory_space<vmem>>) attributes {dimension_semantics = [#tpu.dimension_semantics<arbitrary>], iteration_bounds = array<i64: 25>, scalar_prefetch = 0 : i64, scratch_operands = 0 : i64, tpu.core_type = #tpu.core_type<tc>, window_params = [{transform_indices = @transform_0, window_bounds = array<i64: 2, 400, 1>}, {transform_indices = @transform_1, window_bounds = array<i64: 400, 128>}, {pipeline_mode = #tpu.pipeline_mode<synchronous>, transform_indices = @transform_2, window_bounds = array<i64: 128, 128>}, {transform_indices = @transform_3, window_bounds = array<i64: 400, 128>}]} {
    %get3A = arith.constant 0 : index
    %get3A_0 = arith.constant 0 : index
    %get3A_1 = arith.constant 0 : index
    %get3A_2 = vector.load %arg1[%get3A, %get3A_0, %get3A_1] : memref<2x400x1xf32, #tpu.memory_space<vmem>>, vector<1x400x1xf32>
    %get3A_3 = vector.shape_cast %get3A_2 : vector<1x400x1xf32> to vector<400x1xf32>
    %get3A_4 = arith.constant 1 : index
    %get3A_5 = arith.constant 0 : index
    %get3A_6 = arith.constant 0 : index
    %get3A_7 = vector.load %arg1[%get3A_4, %get3A_5, %get3A_6] : memref<2x400x1xf32, #tpu.memory_space<vmem>>, vector<1x400x1xf32>
    %get3A_8 = vector.shape_cast %get3A_7 : vector<1x400x1xf32> to vector<400x1xf32>
    %add3A = arith.addf %get3A_3, %get3A_8 : vector<400x1xf32>
    %add3A_9 = arith.constant 1.000000e+00 : f32
    %add3A_10 = vector.broadcast %add3A_9 : f32 to vector<400x1xf32>
    %add3A_11 = arith.addf %add3A, %add3A_10 : vector<400x1xf32>
    %rsqrt3A = math.rsqrt %add3A_11 : vector<400x1xf32>
    %get3A_12 = arith.constant 0 : index
    %get3A_13 = arith.constant 0 : index
    %get3A_14 = vector.load %arg2[%get3A_12, %get3A_13] : memref<400x128xf32, #tpu.memory_space<vmem>>, vector<400x128xf32>
    %get3A_15 = arith.constant 0 : index
    %get3A_16 = arith.constant 0 : index
    %get3A_17 = vector.load %arg3[%get3A_15, %get3A_16] : memref<128x128xf32, #tpu.memory_space<vmem>>, vector<128x128xf32>
    %dot_general3A = arith.constant dense<0.000000e+00> : vector<400x128xf32>
    %dot_general3A_18 = tpu.matmul %get3A_14, %get3A_17, %dot_general3A {dimension_numbers = #tpu.dot_dimension_numbers<[1], [0], [0], [1], [0, 0, 1, 1], [], []>, transpose_lhs_hint = false} : vector<400x128xf32>, vector<128x128xf32>, vector<400x128xf32> -> vector<400x128xf32>
    %mul3A = vector.broadcast %rsqrt3A : vector<400x1xf32> to vector<400x128xf32>
    %mul3A_19 = arith.mulf %mul3A, %dot_general3A_18 : vector<400x128xf32>
    %swap3A = arith.constant 0 : index
    %swap3A_20 = arith.constant 0 : index
    %swap3A_21 = vector.load %arg4[%swap3A, %swap3A_20] : memref<400x128xf32, #tpu.memory_space<vmem>>, vector<400x128xf32>
    tpu.vector_store %arg4[%swap3A, %swap3A_20], %mul3A_19 {strides = array<i32>} : memref<400x128xf32, #tpu.memory_space<vmem>>, vector<400x128xf32>,
    return
  }
  func.func @transform_0(%arg0: i32) -> (i32, i32, i32) {
    %c0_i32 = arith.constant 0 : i32
    %c0_i32_0 = arith.constant 0 : i32
    %c0_i32_1 = arith.constant 0 : i32
    return %c0_i32, %arg0, %c0_i32_0 : i32, i32, i32
  }
  func.func @transform_1(%arg0: i32) -> (i32, i32) {
    %c0_i32 = arith.constant 0 : i32
    %c0_i32_0 = arith.constant 0 : i32
    return %arg0, %c0_i32 : i32, i32
  }
  func.func @transform_2(%arg0: i32) -> (i32, i32) {
    %c0_i32 = arith.constant 0 : i32
    %c0_i32_0 = arith.constant 0 : i32
    %c0_i32_1 = arith.constant 0 : i32
    return %c0_i32, %c0_i32_0 : i32, i32
  }
  func.func @transform_3(%arg0: i32) -> (i32, i32) {
    %c0_i32 = arith.constant 0 : i32
    %c0_i32_0 = arith.constant 0 : i32
    return %arg0, %c0_i32 : i32, i32
  }
}

module attributes {stable_mosaic.version = 14 : i64} {
  func.func @_mid_body(%arg0: i32, %arg1: memref<2x400x1xf32, #tpu.memory_space<vmem>>, %arg2: memref<2x400x128xf32, #tpu.memory_space<vmem>>, %arg3: memref<400x128xf32, #tpu.memory_space<vmem>>, %arg4: memref<1x128xf32, #tpu.memory_space<vmem>>, %arg5: memref<128x128xf32, #tpu.memory_space<vmem>>, %arg6: memref<400x128xf32, #tpu.memory_space<vmem>>) attributes {dimension_semantics = [#tpu.dimension_semantics<arbitrary>], iteration_bounds = array<i64: 25>, scalar_prefetch = 0 : i64, scratch_operands = 0 : i64, tpu.core_type = #tpu.core_type<tc>, window_params = [{transform_indices = @transform_0, window_bounds = array<i64: 2, 400, 1>}, {transform_indices = @transform_1, window_bounds = array<i64: 2, 400, 128>}, {transform_indices = @transform_2, window_bounds = array<i64: 400, 128>}, {pipeline_mode = #tpu.pipeline_mode<synchronous>, transform_indices = @transform_3, window_bounds = array<i64: 1, 128>}, {pipeline_mode = #tpu.pipeline_mode<synchronous>, transform_indices = @transform_4, window_bounds = array<i64: 128, 128>}, {transform_indices = @transform_5, window_bounds = array<i64: 400, 128>}]} {
    %get3A = arith.constant 0 : index
    %get3A_0 = arith.constant 0 : index
    %get3A_1 = arith.constant 0 : index
    %get3A_2 = vector.load %arg1[%get3A, %get3A_0, %get3A_1] : memref<2x400x1xf32, #tpu.memory_space<vmem>>, vector<1x400x1xf32>
    %get3A_3 = vector.shape_cast %get3A_2 : vector<1x400x1xf32> to vector<400x1xf32>
    %get3A_4 = arith.constant 1 : index
    %get3A_5 = arith.constant 0 : index
    %get3A_6 = arith.constant 0 : index
    %get3A_7 = vector.load %arg1[%get3A_4, %get3A_5, %get3A_6] : memref<2x400x1xf32, #tpu.memory_space<vmem>>, vector<1x400x1xf32>
    %get3A_8 = vector.shape_cast %get3A_7 : vector<1x400x1xf32> to vector<400x1xf32>
    %add3A = arith.addf %get3A_3, %get3A_8 : vector<400x1xf32>
    %add3A_9 = arith.constant 1.000000e+00 : f32
    %add3A_10 = vector.broadcast %add3A_9 : f32 to vector<400x1xf32>
    %add3A_11 = arith.addf %add3A, %add3A_10 : vector<400x1xf32>
    %rsqrt3A = math.rsqrt %add3A_11 : vector<400x1xf32>
    %get3A_12 = arith.constant 0 : index
    %get3A_13 = arith.constant 0 : index
    %get3A_14 = arith.constant 0 : index
    %get3A_15 = vector.load %arg2[%get3A_12, %get3A_13, %get3A_14] : memref<2x400x128xf32, #tpu.memory_space<vmem>>, vector<1x400x128xf32>
    %get3A_16 = vector.shape_cast %get3A_15 : vector<1x400x128xf32> to vector<400x128xf32>
    %get3A_17 = arith.constant 1 : index
    %get3A_18 = arith.constant 0 : index
    %get3A_19 = arith.constant 0 : index
    %get3A_20 = vector.load %arg2[%get3A_17, %get3A_18, %get3A_19] : memref<2x400x128xf32, #tpu.memory_space<vmem>>, vector<1x400x128xf32>
    %get3A_21 = vector.shape_cast %get3A_20 : vector<1x400x128xf32> to vector<400x128xf32>
    %add3A_22 = arith.addf %get3A_16, %get3A_21 : vector<400x128xf32>
    %get3A_23 = arith.constant 0 : index
    %get3A_24 = arith.constant 0 : index
    %get3A_25 = vector.load %arg3[%get3A_23, %get3A_24] : memref<400x128xf32, #tpu.memory_space<vmem>>, vector<400x128xf32>
    %add3A_26 = arith.addf %add3A_22, %get3A_25 : vector<400x128xf32>
    %mul3A = vector.broadcast %rsqrt3A : vector<400x1xf32> to vector<400x128xf32>
    %mul3A_27 = arith.mulf %mul3A, %add3A_26 : vector<400x128xf32>
    %get3A_28 = arith.constant 0 : index
    %get3A_29 = arith.constant 0 : index
    %get3A_30 = vector.load %arg4[%get3A_28, %get3A_29] : memref<1x128xf32, #tpu.memory_space<vmem>>, vector<1x128xf32>
    %add3A_31 = vector.broadcast %get3A_30 : vector<1x128xf32> to vector<400x128xf32>
    %add3A_32 = arith.addf %mul3A_27, %add3A_31 : vector<400x128xf32>
    %max3A = arith.constant 0.000000e+00 : f32
    %max3A_33 = vector.broadcast %max3A : f32 to vector<400x128xf32>
    %max3A_34 = arith.maximumf %add3A_32, %max3A_33 : vector<400x128xf32>
    %get3A_35 = arith.constant 0 : index
    %get3A_36 = arith.constant 0 : index
    %get3A_37 = vector.load %arg5[%get3A_35, %get3A_36] : memref<128x128xf32, #tpu.memory_space<vmem>>, vector<128x128xf32>
    %dot_general3A = arith.constant dense<0.000000e+00> : vector<400x128xf32>
    %dot_general3A_38 = tpu.matmul %max3A_34, %get3A_37, %dot_general3A {dimension_numbers = #tpu.dot_dimension_numbers<[1], [0], [0], [1], [0, 0, 1, 1], [], []>, transpose_lhs_hint = false} : vector<400x128xf32>, vector<128x128xf32>, vector<400x128xf32> -> vector<400x128xf32>
    %mul3A_39 = vector.broadcast %rsqrt3A : vector<400x1xf32> to vector<400x128xf32>
    %mul3A_40 = arith.mulf %mul3A_39, %dot_general3A_38 : vector<400x128xf32>
    %swap3A = arith.constant 0 : index
    %swap3A_41 = arith.constant 0 : index
    %swap3A_42 = vector.load %arg6[%swap3A, %swap3A_41] : memref<400x128xf32, #tpu.memory_space<vmem>>, vector<400x128xf32>
    tpu.vector_store %arg6[%swap3A, %swap3A_41], %mul3A_40 {strides = array<i32>} : memref<400x128xf32, #tpu.memory_space<vmem>>, vector<400x128xf32>,
    return
  }
  func.func @transform_0(%arg0: i32) -> (i32, i32, i32) {
    %c0_i32 = arith.constant 0 : i32
    %c0_i32_0 = arith.constant 0 : i32
    %c0_i32_1 = arith.constant 0 : i32
    return %c0_i32, %arg0, %c0_i32_0 : i32, i32, i32
  }
  func.func @transform_1(%arg0: i32) -> (i32, i32, i32) {
    %c0_i32 = arith.constant 0 : i32
    %c0_i32_0 = arith.constant 0 : i32
    %c0_i32_1 = arith.constant 0 : i32
    return %c0_i32, %arg0, %c0_i32_0 : i32, i32, i32
  }
  func.func @transform_2(%arg0: i32) -> (i32, i32) {
    %c0_i32 = arith.constant 0 : i32
    %c0_i32_0 = arith.constant 0 : i32
    return %arg0, %c0_i32 : i32, i32
  }
  func.func @transform_3(%arg0: i32) -> (i32, i32) {
    %c0_i32 = arith.constant 0 : i32
    %c0_i32_0 = arith.constant 0 : i32
    %c0_i32_1 = arith.constant 0 : i32
    return %c0_i32, %c0_i32_0 : i32, i32
  }
  func.func @transform_4(%arg0: i32) -> (i32, i32) {
    %c0_i32 = arith.constant 0 : i32
    %c0_i32_0 = arith.constant 0 : i32
    %c0_i32_1 = arith.constant 0 : i32
    return %c0_i32, %c0_i32_0 : i32, i32
  }
  func.func @transform_5(%arg0: i32) -> (i32, i32) {
    %c0_i32 = arith.constant 0 : i32
    %c0_i32_0 = arith.constant 0 : i32
    return %arg0, %c0_i32 : i32, i32
  }
}

module attributes {stable_mosaic.version = 14 : i64} {
  func.func @_final_body(%arg0: i32, %arg1: memref<2x400x1xf32, #tpu.memory_space<vmem>>, %arg2: memref<2x400x128xf32, #tpu.memory_space<vmem>>, %arg3: memref<400x128xf32, #tpu.memory_space<vmem>>, %arg4: memref<1x128xf32, #tpu.memory_space<vmem>>, %arg5: memref<400x128xf32, #tpu.memory_space<vmem>>) attributes {dimension_semantics = [#tpu.dimension_semantics<arbitrary>], iteration_bounds = array<i64: 25>, scalar_prefetch = 0 : i64, scratch_operands = 0 : i64, tpu.core_type = #tpu.core_type<tc>, window_params = [{transform_indices = @transform_0, window_bounds = array<i64: 2, 400, 1>}, {transform_indices = @transform_1, window_bounds = array<i64: 2, 400, 128>}, {transform_indices = @transform_2, window_bounds = array<i64: 400, 128>}, {pipeline_mode = #tpu.pipeline_mode<synchronous>, transform_indices = @transform_3, window_bounds = array<i64: 1, 128>}, {transform_indices = @transform_4, window_bounds = array<i64: 400, 128>}]} {
    %get3A = arith.constant 0 : index
    %get3A_0 = arith.constant 0 : index
    %get3A_1 = arith.constant 0 : index
    %get3A_2 = vector.load %arg1[%get3A, %get3A_0, %get3A_1] : memref<2x400x1xf32, #tpu.memory_space<vmem>>, vector<1x400x1xf32>
    %get3A_3 = vector.shape_cast %get3A_2 : vector<1x400x1xf32> to vector<400x1xf32>
    %get3A_4 = arith.constant 1 : index
    %get3A_5 = arith.constant 0 : index
    %get3A_6 = arith.constant 0 : index
    %get3A_7 = vector.load %arg1[%get3A_4, %get3A_5, %get3A_6] : memref<2x400x1xf32, #tpu.memory_space<vmem>>, vector<1x400x1xf32>
    %get3A_8 = vector.shape_cast %get3A_7 : vector<1x400x1xf32> to vector<400x1xf32>
    %add3A = arith.addf %get3A_3, %get3A_8 : vector<400x1xf32>
    %add3A_9 = arith.constant 1.000000e+00 : f32
    %add3A_10 = vector.broadcast %add3A_9 : f32 to vector<400x1xf32>
    %add3A_11 = arith.addf %add3A, %add3A_10 : vector<400x1xf32>
    %rsqrt3A = math.rsqrt %add3A_11 : vector<400x1xf32>
    %get3A_12 = arith.constant 0 : index
    %get3A_13 = arith.constant 0 : index
    %get3A_14 = arith.constant 0 : index
    %get3A_15 = vector.load %arg2[%get3A_12, %get3A_13, %get3A_14] : memref<2x400x128xf32, #tpu.memory_space<vmem>>, vector<1x400x128xf32>
    %get3A_16 = vector.shape_cast %get3A_15 : vector<1x400x128xf32> to vector<400x128xf32>
    %get3A_17 = arith.constant 1 : index
    %get3A_18 = arith.constant 0 : index
    %get3A_19 = arith.constant 0 : index
    %get3A_20 = vector.load %arg2[%get3A_17, %get3A_18, %get3A_19] : memref<2x400x128xf32, #tpu.memory_space<vmem>>, vector<1x400x128xf32>
    %get3A_21 = vector.shape_cast %get3A_20 : vector<1x400x128xf32> to vector<400x128xf32>
    %add3A_22 = arith.addf %get3A_16, %get3A_21 : vector<400x128xf32>
    %get3A_23 = arith.constant 0 : index
    %get3A_24 = arith.constant 0 : index
    %get3A_25 = vector.load %arg3[%get3A_23, %get3A_24] : memref<400x128xf32, #tpu.memory_space<vmem>>, vector<400x128xf32>
    %add3A_26 = arith.addf %add3A_22, %get3A_25 : vector<400x128xf32>
    %mul3A = vector.broadcast %rsqrt3A : vector<400x1xf32> to vector<400x128xf32>
    %mul3A_27 = arith.mulf %mul3A, %add3A_26 : vector<400x128xf32>
    %get3A_28 = arith.constant 0 : index
    %get3A_29 = arith.constant 0 : index
    %get3A_30 = vector.load %arg4[%get3A_28, %get3A_29] : memref<1x128xf32, #tpu.memory_space<vmem>>, vector<1x128xf32>
    %add3A_31 = vector.broadcast %get3A_30 : vector<1x128xf32> to vector<400x128xf32>
    %add3A_32 = arith.addf %mul3A_27, %add3A_31 : vector<400x128xf32>
    %max3A = arith.constant 0.000000e+00 : f32
    %max3A_33 = vector.broadcast %max3A : f32 to vector<400x128xf32>
    %max3A_34 = arith.maximumf %add3A_32, %max3A_33 : vector<400x128xf32>
    %swap3A = arith.constant 0 : index
    %swap3A_35 = arith.constant 0 : index
    %swap3A_36 = vector.load %arg5[%swap3A, %swap3A_35] : memref<400x128xf32, #tpu.memory_space<vmem>>, vector<400x128xf32>
    tpu.vector_store %arg5[%swap3A, %swap3A_35], %max3A_34 {strides = array<i32>} : memref<400x128xf32, #tpu.memory_space<vmem>>, vector<400x128xf32>,
    return
  }
  func.func @transform_0(%arg0: i32) -> (i32, i32, i32) {
    %c0_i32 = arith.constant 0 : i32
    %c0_i32_0 = arith.constant 0 : i32
    %c0_i32_1 = arith.constant 0 : i32
    return %c0_i32, %arg0, %c0_i32_0 : i32, i32, i32
  }
  func.func @transform_1(%arg0: i32) -> (i32, i32, i32) {
    %c0_i32 = arith.constant 0 : i32
    %c0_i32_0 = arith.constant 0 : i32
    %c0_i32_1 = arith.constant 0 : i32
    return %c0_i32, %arg0, %c0_i32_0 : i32, i32, i32
  }
  func.func @transform_2(%arg0: i32) -> (i32, i32) {
    %c0_i32 = arith.constant 0 : i32
    %c0_i32_0 = arith.constant 0 : i32
    return %arg0, %c0_i32 : i32, i32
  }
  func.func @transform_3(%arg0: i32) -> (i32, i32) {
    %c0_i32 = arith.constant 0 : i32
    %c0_i32_0 = arith.constant 0 : i32
    %c0_i32_1 = arith.constant 0 : i32
    return %c0_i32, %c0_i32_0 : i32, i32
  }
  func.func @transform_4(%arg0: i32) -> (i32, i32) {
    %c0_i32 = arith.constant 0 : i32
    %c0_i32_0 = arith.constant 0 : i32
    return %arg0, %c0_i32 : i32, i32
  }
}

</mosaic_0001>

<sc_bundles>
// kernel: kernel.11.cloned.1.call-start
scs
__scs_entry_jumppad:
0x0: {  	(pc) =	sbr.rel $0x88, $3  }
0x1: {  	(tag) =	ssettag $0x0;
	lr =	simm.s32 $0x1  }
0x2: {  	[smem:$0x3F9B] =	sst lr;
	_ =	strace $0xD0000000  }
0x3: {  	_ = 	snop  }
0x4: {  	_ = 	snop  }
0x5: {  	_ = 	snop  }
0x6: {  	_ = 	snop  }
0x7: {  	_ = 	snop  }
__scs_overlays_trampoline_lowered:
0x8: {  	[smem:$0x3FAA] =	sst s0  }
0x9: {  	[smem:$0x3FAB] =	sst s1  }
0xa: {  	[smem:$0x3FAC] =	sst s2  }
0xb: {  	[smem:$0x3FAD] =	sst s3  }
0xc: {  	[smem:$0x3FAE] =	sst s4  }
0xd: {  	[smem:$0x3FAF] =	sst s5  }
0xe: {  	[smem:$0x3FB0] =	sst s6  }
0xf: {  	[smem:$0x3FB1] =	sst s7  }
0x10: {  	[smem:$0x3FB2] =	sst s8  }
0x11: {  	[smem:$0x3FB3] =	sst s9;
	s0 =	simm.s32 @!p0 $0x0  }
0x12: {  	s1 =	sld [smem:$0x3F99];
	s0 =	simm.s32 @p0 $0x1  }
0x13: {  	[smem:$0x3FB4] =	sst s0;
	s0 =	simm.s32 @!p1 $0x0  }
0x14: {  	s2 =	sld [smem:$0x3F98];
	s0 =	simm.s32 @p1 $0x1  }
0x15: {  	[smem:$0x3FB5] =	sst s0;
	s0 =	simm.s32 @!p2 $0x0  }
0x16: {  	s3 =	sld [smem:$0x3FDB];
	s0 =	simm.s32 @p2 $0x1  }
0x17: {  	s4 =	simm.s32 $0x1BF5;
	[smem:$0x3FB7] =	sst s0  }
0x18: {  	s0 =	sld [smem:$0x3F9A];
	_ =	swait.ge [sflag:s4], $0x0  }
0x19: {  	s7 =	sld [smem:$0x3F9B]  }
0x1a: {  	s8 =	sadd.s32 $0xFFFFE003, lr  }
0x1b: {  	s9 =	sadd.s32 $0xFFFFFEF7, lr;
	s5 =	simm.s32 $0xFFFFFFFF;
	p2 =	slt.u32 s8, $0xFFFFF086  }
0x1c: {  	p1 =	slt.u32 s9, $0xF7A;
	s5 =	simm.s32 @!p2 $0x0  }
0x1d: {  	s5 =	simm.s32 @p1 $0x1;
	p0 =	seq.s32 s7, s2  }
0x1e: {  	s7 =	smul.u32 @!p0 $0xF7A, s2;
	p2 =	seq.s32 @!p0 s5, $0x0  }
0x1f: {  	s9 =	smul.u32 $0xF7A, s1;
	s8 =	simm.s32 @!p0 $0x1BF5;
	p2 =	por !p2, p0  }
0x20: {  	[sflag:s8] =	ssyncset.s32 @!p0 $0xFFFFF086;
	s6 =	sadd.s32 @!p0 s3, s7;
	s7 =	simm.s32 @!p0 $0x108  }
0x21: {  	s3 =	sadd.s32 s3, s9;
	s6 =	sadd.s32 @!p0 $0x88, s6;
	s7 =	simm.s32 @p2 $0x1082  }
0x22: {  	[simem:s7], [sflag:s8] =	dma.local @!p0 [hbm:s6], $0xF7A  }
0x23: {  	s9 =	sor.u32 $0xD0000000, s2;
	s6 =	simm.s32 $0x108;
	_ =	swait.ge @!p0 [sflag:s8], $0x0  }
0x24: {  	s3 =	sadd.s32 $0x88, s3;
	s6 =	simm.s32 @!p1 $0x1082;
	[sflag:s4] =	ssyncset.s32 $0xFFFFF086  }
0x25: {  	[simem:s6], [sflag:s4] =	dma.local [hbm:s3], $0xF7A  }
0x26: {  	[smem:$0x3F9B] =	sst s1;
	(tag) =	ssettag s2;
	_ =	strace s9  }
0x27: {  	s1 =	sld [smem:$0x3FAB]  }
0x28: {  	s2 =	sld [smem:$0x3FAC]  }
0x29: {  	s4 =	sld [smem:$0x3FAE]  }
0x2a: {  	p0 =	seq.s32 s5, $0x0;
	s5 =	sld [smem:$0x3FAF]  }
0x2b: {  	s6 =	sld [smem:$0x3FB0]  }
0x2c: {  	s7 =	sld [smem:$0x3FB1]  }
0x2d: {  	s3 =	simm.s32 $0x108;
	s8 =	sld [smem:$0x3FB2]  }
0x2e: {  	s3 =	simm.s32 @!p0 $0x1082;
	s9 =	sld [smem:$0x3FB3]  }
0x2f: {  	lr =	sadd.s32 s0, s3;
	s0 =	sld [smem:$0x3FAA]  }
0x30: {  	s3 =	sld [smem:$0x3FAD]  }
0x31: {  	[smem:$0x3FB6] =	sst s10  }
0x32: {  	s10 =	sld [smem:$0x3FB4];
	_ =	sdelay $0x3  }
0x33: {  	p0 =	seq.s32 s10, $0x1;
	s10 =	sld [smem:$0x3FB6];
	_ =	sdelay $0x3  }
0x34: {  	[smem:$0x3FB6] =	sst s10  }
0x35: {  	s10 =	sld [smem:$0x3FB5];
	_ =	sdelay $0x3  }
0x36: {  	p1 =	seq.s32 s10, $0x1;
	s10 =	sld [smem:$0x3FB6];
	_ =	sdelay $0x3  }
0x37: {  	[smem:$0x3FB6] =	sst s10  }
0x38: {  	s10 =	sld [smem:$0x3FB7]  }
0x39: {  	_ = 	snop;
	(pc) =	sbr.ind lr, $3  }
0x3a: {  	_ = 	snop  }
0x3b: {  	_ = 	snop  }
0x3c: {  	p2 =	seq.s32 s10, $0x1;
	s10 =	sld [smem:$0x3FB6]  }
0x3d: {  	_ =	shalt  }
0x3e: {  	_ =	shalt  }
0x3f: {  	_ =	shalt  }
0x40: {  	_ =	shalt  }
0x41: {  	_ =	shalt  }
0x42: {  	_ =	shalt  }
0x43: {  	_ =	shalt  }
0x44: {  	_ =	shalt  }
0x45: {  	_ =	shalt  }
0x46: {  	_ =	shalt  }
0x47: {  	_ =	shalt  }
0x48: {  	_ =	shalt  }
0x49: {  	_ =	shalt  }
0x4a: {  	_ =	shalt  }
0x4b: {  	_ =	shalt  }
0x4c: {  	_ =	shalt  }
0x4d: {  	_ =	shalt  }
0x4e: {  	_ =	shalt  }
0x4f: {  	_ =	shalt  }
0x50: {  	_ =	shalt  }
0x51: {  	_ =	shalt  }
0x52: {  	_ =	shalt  }
0x53: {  	_ =	shalt  }
0x54: {  	_ =	shalt  }
0x55: {  	_ =	shalt  }
0x56: {  	_ =	shalt  }
0x57: {  	_ =	shalt  }
0x58: {  	_ =	shalt  }
0x59: {  	_ =	shalt  }
0x5a: {  	_ =	shalt  }
0x5b: {  	_ =	shalt  }
0x5c: {  	_ =	shalt  }
0x5d: {  	_ =	shalt  }
0x5e: {  	_ =	shalt  }
0x5f: {  	_ =	shalt  }
0x60: {  	_ =	shalt  }
0x61: {  	_ =	shalt  }
0x62: {  	_ =	shalt  }
0x63: {  	_ =	shalt  }
0x64: {  	_ =	shalt  }
0x65: {  	_ =	shalt  }
0x66: {  	_ =	shalt  }
0x67: {  	_ =	shalt  }
0x68: {  	_ =	shalt  }
0x69: {  	_ =	shalt  }
0x6a: {  	_ =	shalt  }
0x6b: {  	_ =	shalt  }
0x6c: {  	_ =	shalt  }
0x6d: {  	_ =	shalt  }
0x6e: {  	_ =	shalt  }
0x6f: {  	_ =	shalt  }
0x70: {  	_ =	shalt  }
0x71: {  	_ =	shalt  }
0x72: {  	_ =	shalt  }
0x73: {  	_ =	shalt  }
0x74: {  	_ =	shalt  }
0x75: {  	_ =	shalt  }
0x76: {  	_ =	shalt  }
0x77: {  	_ =	shalt  }
0x78: {  	_ =	shalt  }
0x79: {  	_ =	shalt  }
0x7a: {  	_ =	shalt  }
0x7b: {  	_ =	shalt  }
0x7c: {  	_ =	shalt  }
0x7d: {  	_ =	shalt  }
0x7e: {  	_ =	shalt  }
0x7f: {  	_ =	shalt  }
0x80: {  	_ =	shalt  }
0x81: {  	_ =	shalt  }
0x82: {  	_ =	shalt  }
0x83: {  	_ =	shalt  }
0x84: {  	_ =	shalt  }
0x85: {  	_ =	shalt  }
0x86: {  	_ =	shalt  }
0x87: {  	_ =	shalt  }
.Lfunc_end0:
.L_simem_size_0:
called_computation.1_lowered:
.L_overlay_start_0:
0x88: {  	s2 =	sld [smem:$0x3FD9]  }
0x89: {  	s3 =	sld [smem:$0x3FFE];
	_ =	sdelay $0x1  }
0x8a: {  	s1 =	srdreg.scid  }
0x8b: {  	s0 =	sand.u32 $0x1, s1  }
0x8c: {  	s17 =	sshll.u32 s0, $0xA;
	s2 =	sadd.s32 s3, s2  }
0x8d: {  	s2 =	sadd.s32 s2, s17  }
0x8e: {  	[smem:$0x3FC2] =	sst s2  }
0x8f: {  	_ = 	snop  }
0x90: {  	s2 =	sld [smem:$0x3FD0];
	(tm) =	ssettm $0x1  }
0x91: {  	s18 =	sld [smem:$0x3FFB];
	_ =	sdelay $0x3  }
0x92: {  	_ =	strace s18  }
0x93: {  	s3 =	sld [smem:$0x3FFC];
	_ =	sdelay $0x3  }
0x94: {  	_ =	strace s3  }
0x95: {  	s3 =	sld [smem:$0x3FFD];
	_ =	sdelay $0x3  }
0x96: {  	_ =	strace s3  }
0x97: {  	_ =	strace $0x8FFFFFFF  }
0x98: {  	s19 =	sld [smem:$0x3FDB];
	_ =	sdelay $0x1  }
0x99: {  	s4 =	simm.s32 $_scs_section_size  }
0x9a: {  	s5 =	simm.s32 $_size__tile_overlayer_lowered;
	s6 =	simm.s32 $_tile_overlayer_lowered  }
0x9b: {  	s22 =	simm.s32 $0x1BFF;
	s21 =	sshll.u32 s6, $0x1;
	s3 =	sadd.s32 s4, s19  }
0x9c: {  	s7 =	simm.s32 $0x0;
	s20 =	sshll.u32 s5, $0x1;
	s5 =	sadd.s32 s21, s3  }
0x9d: {  	[timem:s7], [sflag:s22] =	dma.local [hbm:s5], s20  }
0x9e: {  	_ =	swait.ge [sflag:s22], s20  }
0x9f: {  	s4 =	ssub.s32 $0x0, s20;
	[sflag:s22] =	ssyncset.done $0x0  }
0xa0: {  	[sflag:s22] =	ssyncadd.s32 s4;
	_ =	sdelay $0x1  }
0xa1: {  	s23 =	simm.s32 $0x1B8B  }
0xa2: {  	_ =	swait.ge [sflag:s23], $0x1  }
0xa3: {  	[sflag:s23] =	ssyncset.done $0x0  }
0xa4: {  	s25 =	simm.s32 $0x1B8E;
	s24 =	sld [smem:$0x3FFE];
	[sflag:s23] =	ssyncadd.s32 $0xFFFFFFFF  }
0xa5: {  	s26 =	simm.s32 $execute0_lowered;
	[smem:$0x3FD2] =	sst s25  }
0xa6: {  	s5 =	sshll.u32 s26, $0x1;
	_ =	strace $0x80000049;
	[dreg:$0x1] =	wrdreg $0xFFFFFFFF  }
0xa7: {  	s28 =	simm.s32 $_size_execute0_lowered;
	s3 =	sadd.s32 s3, s5;
	[dreg:$0x0] =	wrdreg $0x0  }
0xa8: {  	s5 =	sshll.u32 s28, $0x1;
	[dreg:$0x2] =	wrdreg s3  }
0xa9: {  	[dreg:$0x3] =	wrdreg s5  }
0xaa: {  	[dreg:$0x4] =	wrdreg $0xC0  }
0xab: {  	_ =	task [dreg:s7], $0x5FFFF  }
0xac: {  	[dreg:$0x1] =	wrdreg $0xFFFFFFFF  }
0xad: {  	[dreg:$0x0] =	wrdreg $0x60  }
0xae: {  	[dreg:$0x2] =	wrdreg s24  }
0xaf: {  	[dreg:$0x3] =	wrdreg s2  }
0xb0: {  	[dreg:$0x4] =	wrdreg $0x90000  }
0xb1: {  	[dreg:$0x5] =	wrdreg $0x9  }
0xb2: {  	_ =	task.clear_ibuf [dreg:s7], $0x6FFFF;
	_ =	strace $0x90000049  }
0xb3: {  	s29 =	simm.s32 $0x9;
	_ =	strace $0x8000004B  }
0xb4: {  	_ =	swait.ge [sflag:s29], $0x1  }
0xb5: {  	[sflag:s29] =	ssyncadd.s32 $0xFFFFFFFF  }
0xb6: {  	_ =	strace $0x9000004B  }
0xb7: {  	_ =	sfence  }
0xb8: {  	s30 =	sld [smem:$0x0];
	_ =	sdelay $0x2  }
0xb9: {  	s31 =	sshll.u32 s1, $0xD;
	s1 =	sshrl.u32 s1, $0x2  }
0xba: {  	s3 =	sand.u32 $0x4000, s31;
	s1 =	sadd.s32 s1, s30  }
0xbb: {  	s0 =	sor.u32 s3, s0;
	s1 =	sshll.u32 s1, $0x11  }
0xbc: {  	s0 =	sor.u32 s1, s0  }
0xbd: {  	s0 =	sadd.s32 $0x8F2B, s0  }
0xbe: {  	[sflag:s0] =	ssyncadd.remote.s32 $0x1  }
0xbf: {  	_ =	sfence.sel $0xFFFF  }
0xc0: {  	[dreg:$0x0] =	wrdreg $0xFFFFFFFF;
	(pc) =	sbr.abs _section_cstart, $3  }
0xc1: {  	[dreg:$0x1] =	wrdreg $0xFFFFFFFF  }
0xc2: {  	_ =	task.clear_ibuf [dreg:s7], $0x2FFFF;
	_ =	strace $0x9FFFFFFF  }
0xc3: {  	(tm) =	ssettm $0x7FFFFFFF  }
tec
execute0_lowered:
.L_overlay_start_1:
0x0: {  	(tag) =	ssettag $0x1  }
0x1: {  	s6 =	rddreg [dreg:$0x0]  }
0x2: {  	s1 =	srdreg.scid;
	s2 =	rddreg [dreg:$0x1]  }
0x3: {  	s0 =	stileid.u32;
	s3 =	rddreg [dreg:$0x2];
	s4 =	simm.s32 $0x0  }
0x4: {  	s16 =	simm.s32 $0x7D;
	s17 =	simm.s32 $0x5000;
	s18 =	simm.s32 $0x1  }
0x5: {  	s19 =	simm.s32 $0x0;
	s7 =	sand.u32 $0x1, s1;
	s1 =	rddreg [dreg:$0x3]  }
0x6: {  	s26 =	sshll.u32 s0, $0x1;
	[smem:$0x7FF] =	sst s4;
	s9 =	smul.u32 $0x50000, s0  }
0x7: {  	s12 =	smul.u32 $0x14000, s0;
	s13 =	sadd.s32 $0x19600, s6;
	s15 =	sadd.s32 $0x12C000, s3  }
0x8: {  	p0 =	seq.s32 s0, $0xF;
	s5 =	sor.u32 s7, s26;
	s10 =	ssub.s32 $0x2, s7  }
0x9: {  	_ =	strace $0x8000004A;
	s11 =	smul.u32 $0x138800, s7;
	s28 =	sshrl.u32 s10, $0x1  }
0xa: {  	s5 =	smul.u32 $0x500, s5;
	s9 =	sshrl.u32 s9, $0x2;
	s10 =	ssub.s32 s10, s28  }
0xb: {  	s14 =	sadd.s32 s9, s3;
	s29 =	sadd.s32 s12, s11;
	s31 =	sshrl.u32 s11, $0x3  }
0xc: {  	s12 =	sshll.u32 @!p0 s0, $0x6;
	s11 =	sshrl.u32 @p0 s15, $0x3;
	s15 =	simm.s32 $0x2800  }
0xd: {  	s8 =	sadd.s32 s5, s6;
	s5 =	sadd.s32 $0x16E00, s6;
	s30 =	sshrl.u32 s29, $0x3  }
0xe: {  	s9 =	sadd.s32 s13, s31;
	s10 =	smax.u32 s10, $0x1;
	s12 =	sor.u32 @!p0 $0x1C02, s12  }
0xf: {  	s6 =	sadd.s32 $0xC600, s8;
	s7 =	sadd.s32 $0x2200, s8;
	s8 =	sadd.s32 s13, s30  }
0x10: {  	s9 =	sadd.s32 $0x25800, s9;
	s13 =	sshrl.u32 @!p0 s14, $0x3;
	s14 =	simm.s32 $0x2  }
.LBB2_1:
0x11: {  	s20 =	simm.s32 @p0 $0x1FC2  }
0x12: {  	[spmem:s11], [sflag:s20] =	dma.local @p0 [hbm:s5], $0x1900  }
0x13: {  	s20 =	simm.s32 @p0 $0x2  }
0x14: {  	_ =	swait.ge @p0 [sflag:s20], $0x1900  }
0x15: {  	[sflag:s20] =	ssyncset.done @p0 $0x0  }
0x16: {  	[sflag:s20] =	ssyncadd.s32 @p0 $0xFFFFE700;
	s20 =	simm.s32 @!p0 $0x2  }
0x17: {  	[spmem:s13], [sflag:s12] =	dma.local @!p0 [hbm:s5], $0x2800  }
0x18: {  	_ =	swait.ge @!p0 [sflag:s20], $0x2800  }
0x19: {  	[sflag:s20] =	ssyncset.done @!p0 $0x0  }
0x1a: {  	[sflag:s20] =	ssyncadd.s32 @!p0 $0xFFFFD800  }
0x1b: {  	[tilespmem:s4], [sflag:$0x2] =	stream.linear.gather [hbm4b:s6+s4], $0x2800, $0x38;
	[tilespmem:$0x1C880] =	vst v63  }
0x1c: {  	_ =	swait.ge [sflag:s14], $0x2800  }
0x1d: {  	[sflag:s14] =	ssyncset.done $0x0  }
0x1e: {  	[sflag:s14] =	ssyncadd.s32 $0xFFFFD800  }
0x1f: {  	[tilespmem:s15], [sflag:$0x2] =	stream.linear.gather [hbm4b:s7+s4], $0x2800, $0x38;
	[tilespmem:$0x1C880] =	vst v63  }
0x20: {  	_ =	swait.ge [sflag:s14], $0x2800  }
0x21: {  	[sflag:s14] =	ssyncset.done $0x0  }
0x22: {  	[sflag:s14] =	ssyncadd.s32 $0xFFFFD800  }
0x23: {  	s30 =	simm.s32 $0x0;
	[bflag:$0x0] =	sbarrier.arrive $0xFFFF  }
0x24: {  	[tilespmem:s17], [sflag:$0x1] =	stream.indirect.gather [hbm4b:s2+s16], $0x80, s30, s16, $0xb8;
	[tilespmem:$0x1C880] =	vst v63  }
0x25: {  	_ =	swait.ge [sflag:s18], $0x3E80  }
0x26: {  	[sflag:s18] =	ssyncset.done $0x0  }
0x27: {  	s31 =	simm.s32 $0x2800;
	[sflag:s18] =	ssyncadd.s32 $0xFFFFC180  }
0x28: {  	[spmem:s3] =	stream.indirect.scatter.add.f32 [tilespmem:s17], [sflag:$0x2], $0x80, s31, s16, $0xb8;
	[tilespmem:$0x1C880] =	vst v63  }
0x29: {  	_ =	swait.ge [sflag:s14], $0x3E80  }
0x2a: {  	s21 =	simm.s32 $0x400;
	s20 =	simm.s32 $0x200;
	[sflag:s14] =	ssyncset.done $0x0  }
.LBB2_2:
0x2b: {  	s22 =	sshra.s32 s20, $0x2  }
0x2c: {  	[sflag:s14] =	ssyncadd.s32 $0xFFFFC180;
	s20 =	smov.u32 s21;
	s23 =	sadd.s32 $0x200, s21  }
0x2d: {  	[tilespmem:s17], [sflag:$0x1] =	stream.indirect.gather [hbm4b:s2+s16], $0x80, s22, s16, $0xb8;
	[tilespmem:$0x1C880] =	vst v63  }
0x2e: {  	p1 =	sne.s32 s21, $0x9E00;
	_ =	swait.ge [sflag:s18], $0x3E80  }
.Ltmp0:
0x2f: {  	[sflag:s18] =	ssyncset.done $0x0;
	(pc) =	sbr.rel @p1 .LBB2_2-.Ltmp0, $4  }
0x30: {  	s21 =	sadd.s32 $0x2800, s22;
	[sflag:s18] =	ssyncadd.s32 $0xFFFFC180  }
0x31: {  	[spmem:s3] =	stream.indirect.scatter.add.f32 [tilespmem:s17], [sflag:$0x2], $0x80, s21, s16, $0xb8;
	[tilespmem:$0x1C880] =	vst v63  }
0x32: {  	_ =	swait.ge [sflag:s14], $0x3E80  }
0x33: {  	s21 =	smov.u32 s23;
	[sflag:s14] =	ssyncset.done $0x0  }
0x34: {  	s20 =	sshra.s32 s20, $0x2;
	[sflag:s14] =	ssyncadd.s32 $0xFFFFC180  }
0x35: {  	[tilespmem:s17], [sflag:$0x1] =	stream.indirect.gather [hbm4b:s2+s16], $0x80, s20, s16, $0xb8;
	[tilespmem:$0x1C880] =	vst v63  }
0x36: {  	_ =	swait.ge [sflag:s18], $0x3E80  }
0x37: {  	[sflag:s18] =	ssyncset.done $0x0  }
0x38: {  	s20 =	sadd.s32 $0x2800, s20;
	[sflag:s18] =	ssyncadd.s32 $0xFFFFC180  }
0x39: {  	[spmem:s3] =	stream.indirect.scatter.add.f32 [tilespmem:s17], [sflag:$0x2], $0x80, s20, s16, $0xb8;
	[tilespmem:$0x1C880] =	vst v63  }
0x3a: {  	_ =	swait.ge [sflag:s14], $0x3E80  }
0x3b: {  	[sflag:s14] =	ssyncset.done $0x0  }
0x3c: {  	[sflag:s14] =	ssyncadd.s32 $0xFFFFC180  }
0x3d: {  	s20 =	simm.s32 @p0 $0x1FC2;
	[bflag:$0x0] =	sbarrier.arrive $0xFFFF  }
0x3e: {  	[hbm:s9], [sflag:s20] =	dma.local @p0 [spmem:s11], $0x1900  }
0x3f: {  	s20 =	simm.s32 @p0 $0x2  }
0x40: {  	s19 =	sadd.s32 $0x1, s19;
	_ =	swait.ge @p0 [sflag:s20], $0x1900  }
0x41: {  	p1 =	sne.s32 s19, s10;
	[sflag:s20] =	ssyncset.done @p0 $0x0  }
.Ltmp1:
0x42: {  	[sflag:s20] =	ssyncadd.s32 @p0 $0xFFFFE700;
	s20 =	simm.s32 @!p0 $0x2;
	(pc) =	sbr.rel @p1 .LBB2_1-.Ltmp1, $4  }
0x43: {  	[hbm:s8], [sflag:s12] =	dma.local @!p0 [spmem:s13], $0x2800  }
0x44: {  	_ =	swait.ge @!p0 [sflag:s20], $0x2800  }
0x45: {  	[sflag:s20] =	ssyncset.done @!p0 $0x0  }
0x46: {  	[sflag:s20] =	ssyncadd.s32 @!p0 $0xFFFFD800  }
0x47: {  	_ =	sfence.sel $0x180000  }
0x48: {  	[bflag:$0x0] =	sbarrier.arrive $0xFFFF  }
0x49: {  	p0 =	sne.s32 s0, $0x0;
	_ =	strace $0x9000004A  }
0x4a: {  	s0 =	sadd.s32 @!p0 $0x100000, s1;
	[bflag:$0x2] =	sbarrier.arrive $0xFFFF  }
0x4b: {  	[sflag:s0] =	ssyncadd.tile.s32 @!p0 $0x1;
	_ =	shalt  }
.Lfunc_end2:
_tile_overlayer_lowered:
.L_overlay_start_2:
0x4c: {  	(tag) =	ssettag $0x2  }
0x4d: {  	s0 =	rddreg [dreg:$0x0];
	s2 =	stileid.u32  }
0x4e: {  	s1 =	rddreg [dreg:$0x1];
	p0 =	sne.s32 s2, $0x0  }
0x4f: {  	s3 =	rddreg [dreg:$0x2];
	[bflag:$0x3] =	sbarrier.arrive $0xFFFF;
	s2 =	simm.s32 @!p0 $0x1C02  }
0x50: {  	[timem:s3], [sflag:s2] =	dma.local @!p0 [hbm:s0], s1  }
0x51: {  	s0 =	simm.s32 @!p0 $0x2  }
0x52: {  	_ =	swait.ge @!p0 [sflag:s0], s1  }
0x53: {  	s1 =	ssub.s32 @!p0 $0x0, s1;
	[sflag:s0] =	ssyncset.done @!p0 $0x0  }
0x54: {  	[sflag:s0] =	ssyncadd.s32 @!p0 s1  }
0x55: {  	[bflag:$0x3] =	sbarrier.arrive $0xFFFF  }
0x56: {  	_ =	shalt  }

// kernel: kernel.14.cloned.1.call-start
scs
__scs_entry_jumppad:
0x0: {  	(pc) =	sbr.rel $0x88, $3  }
0x1: {  	(tag) =	ssettag $0x0;
	lr =	simm.s32 $0x1  }
0x2: {  	[smem:$0x3F9B] =	sst lr;
	_ =	strace $0xD0000000  }
0x3: {  	_ = 	snop  }
0x4: {  	_ = 	snop  }
0x5: {  	_ = 	snop  }
0x6: {  	_ = 	snop  }
0x7: {  	_ = 	snop  }
__scs_overlays_trampoline_lowered:
0x8: {  	[smem:$0x3FAA] =	sst s0  }
0x9: {  	[smem:$0x3FAB] =	sst s1  }
0xa: {  	[smem:$0x3FAC] =	sst s2  }
0xb: {  	[smem:$0x3FAD] =	sst s3  }
0xc: {  	[smem:$0x3FAE] =	sst s4  }
0xd: {  	[smem:$0x3FAF] =	sst s5  }
0xe: {  	[smem:$0x3FB0] =	sst s6  }
0xf: {  	[smem:$0x3FB1] =	sst s7  }
0x10: {  	[smem:$0x3FB2] =	sst s8  }
0x11: {  	[smem:$0x3FB3] =	sst s9;
	s0 =	simm.s32 @!p0 $0x0  }
0x12: {  	s1 =	sld [smem:$0x3F99];
	s0 =	simm.s32 @p0 $0x1  }
0x13: {  	[smem:$0x3FB4] =	sst s0;
	s0 =	simm.s32 @!p1 $0x0  }
0x14: {  	s2 =	sld [smem:$0x3F98];
	s0 =	simm.s32 @p1 $0x1  }
0x15: {  	[smem:$0x3FB5] =	sst s0;
	s0 =	simm.s32 @!p2 $0x0  }
0x16: {  	s3 =	sld [smem:$0x3FDB];
	s0 =	simm.s32 @p2 $0x1  }
0x17: {  	s4 =	simm.s32 $0x1BF5;
	[smem:$0x3FB7] =	sst s0  }
0x18: {  	s0 =	sld [smem:$0x3F9A];
	_ =	swait.ge [sflag:s4], $0x0  }
0x19: {  	s7 =	sld [smem:$0x3F9B]  }
0x1a: {  	s8 =	sadd.s32 $0xFFFFE003, lr  }
0x1b: {  	s9 =	sadd.s32 $0xFFFFFEF7, lr;
	s5 =	simm.s32 $0xFFFFFFFF;
	p2 =	slt.u32 s8, $0xFFFFF086  }
0x1c: {  	p1 =	slt.u32 s9, $0xF7A;
	s5 =	simm.s32 @!p2 $0x0  }
0x1d: {  	s5 =	simm.s32 @p1 $0x1;
	p0 =	seq.s32 s7, s2  }
0x1e: {  	s7 =	smul.u32 @!p0 $0xF7A, s2;
	p2 =	seq.s32 @!p0 s5, $0x0  }
0x1f: {  	s9 =	smul.u32 $0xF7A, s1;
	s8 =	simm.s32 @!p0 $0x1BF5;
	p2 =	por !p2, p0  }
0x20: {  	[sflag:s8] =	ssyncset.s32 @!p0 $0xFFFFF086;
	s6 =	sadd.s32 @!p0 s3, s7;
	s7 =	simm.s32 @!p0 $0x108  }
0x21: {  	s3 =	sadd.s32 s3, s9;
	s6 =	sadd.s32 @!p0 $0x88, s6;
	s7 =	simm.s32 @p2 $0x1082  }
0x22: {  	[simem:s7], [sflag:s8] =	dma.local @!p0 [hbm:s6], $0xF7A  }
0x23: {  	s9 =	sor.u32 $0xD0000000, s2;
	s6 =	simm.s32 $0x108;
	_ =	swait.ge @!p0 [sflag:s8], $0x0  }
0x24: {  	s3 =	sadd.s32 $0x88, s3;
	s6 =	simm.s32 @!p1 $0x1082;
	[sflag:s4] =	ssyncset.s32 $0xFFFFF086  }
0x25: {  	[simem:s6], [sflag:s4] =	dma.local [hbm:s3], $0xF7A  }
0x26: {  	[smem:$0x3F9B] =	sst s1;
	(tag) =	ssettag s2;
	_ =	strace s9  }
0x27: {  	s1 =	sld [smem:$0x3FAB]  }
0x28: {  	s2 =	sld [smem:$0x3FAC]  }
0x29: {  	s4 =	sld [smem:$0x3FAE]  }
0x2a: {  	p0 =	seq.s32 s5, $0x0;
	s5 =	sld [smem:$0x3FAF]  }
0x2b: {  	s6 =	sld [smem:$0x3FB0]  }
0x2c: {  	s7 =	sld [smem:$0x3FB1]  }
0x2d: {  	s3 =	simm.s32 $0x108;
	s8 =	sld [smem:$0x3FB2]  }
0x2e: {  	s3 =	simm.s32 @!p0 $0x1082;
	s9 =	sld [smem:$0x3FB3]  }
0x2f: {  	lr =	sadd.s32 s0, s3;
	s0 =	sld [smem:$0x3FAA]  }
0x30: {  	s3 =	sld [smem:$0x3FAD]  }
0x31: {  	[smem:$0x3FB6] =	sst s10  }
0x32: {  	s10 =	sld [smem:$0x3FB4];
	_ =	sdelay $0x3  }
0x33: {  	p0 =	seq.s32 s10, $0x1;
	s10 =	sld [smem:$0x3FB6];
	_ =	sdelay $0x3  }
0x34: {  	[smem:$0x3FB6] =	sst s10  }
0x35: {  	s10 =	sld [smem:$0x3FB5];
	_ =	sdelay $0x3  }
0x36: {  	p1 =	seq.s32 s10, $0x1;
	s10 =	sld [smem:$0x3FB6];
	_ =	sdelay $0x3  }
0x37: {  	[smem:$0x3FB6] =	sst s10  }
0x38: {  	s10 =	sld [smem:$0x3FB7]  }
0x39: {  	_ = 	snop;
	(pc) =	sbr.ind lr, $3  }
0x3a: {  	_ = 	snop  }
0x3b: {  	_ = 	snop  }
0x3c: {  	p2 =	seq.s32 s10, $0x1;
	s10 =	sld [smem:$0x3FB6]  }
0x3d: {  	_ =	shalt  }
0x3e: {  	_ =	shalt  }
0x3f: {  	_ =	shalt  }
0x40: {  	_ =	shalt  }
0x41: {  	_ =	shalt  }
0x42: {  	_ =	shalt  }
0x43: {  	_ =	shalt  }
0x44: {  	_ =	shalt  }
0x45: {  	_ =	shalt  }
0x46: {  	_ =	shalt  }
0x47: {  	_ =	shalt  }
0x48: {  	_ =	shalt  }
0x49: {  	_ =	shalt  }
0x4a: {  	_ =	shalt  }
0x4b: {  	_ =	shalt  }
0x4c: {  	_ =	shalt  }
0x4d: {  	_ =	shalt  }
0x4e: {  	_ =	shalt  }
0x4f: {  	_ =	shalt  }
0x50: {  	_ =	shalt  }
0x51: {  	_ =	shalt  }
0x52: {  	_ =	shalt  }
0x53: {  	_ =	shalt  }
0x54: {  	_ =	shalt  }
0x55: {  	_ =	shalt  }
0x56: {  	_ =	shalt  }
0x57: {  	_ =	shalt  }
0x58: {  	_ =	shalt  }
0x59: {  	_ =	shalt  }
0x5a: {  	_ =	shalt  }
0x5b: {  	_ =	shalt  }
0x5c: {  	_ =	shalt  }
0x5d: {  	_ =	shalt  }
0x5e: {  	_ =	shalt  }
0x5f: {  	_ =	shalt  }
0x60: {  	_ =	shalt  }
0x61: {  	_ =	shalt  }
0x62: {  	_ =	shalt  }
0x63: {  	_ =	shalt  }
0x64: {  	_ =	shalt  }
0x65: {  	_ =	shalt  }
0x66: {  	_ =	shalt  }
0x67: {  	_ =	shalt  }
0x68: {  	_ =	shalt  }
0x69: {  	_ =	shalt  }
0x6a: {  	_ =	shalt  }
0x6b: {  	_ =	shalt  }
0x6c: {  	_ =	shalt  }
0x6d: {  	_ =	shalt  }
0x6e: {  	_ =	shalt  }
0x6f: {  	_ =	shalt  }
0x70: {  	_ =	shalt  }
0x71: {  	_ =	shalt  }
0x72: {  	_ =	shalt  }
0x73: {  	_ =	shalt  }
0x74: {  	_ =	shalt  }
0x75: {  	_ =	shalt  }
0x76: {  	_ =	shalt  }
0x77: {  	_ =	shalt  }
0x78: {  	_ =	shalt  }
0x79: {  	_ =	shalt  }
0x7a: {  	_ =	shalt  }
0x7b: {  	_ =	shalt  }
0x7c: {  	_ =	shalt  }
0x7d: {  	_ =	shalt  }
0x7e: {  	_ =	shalt  }
0x7f: {  	_ =	shalt  }
0x80: {  	_ =	shalt  }
0x81: {  	_ =	shalt  }
0x82: {  	_ =	shalt  }
0x83: {  	_ =	shalt  }
0x84: {  	_ =	shalt  }
0x85: {  	_ =	shalt  }
0x86: {  	_ =	shalt  }
0x87: {  	_ =	shalt  }
.Lfunc_end0:
.L_simem_size_0:
called_computation.2_lowered:
.L_overlay_start_0:
0x88: {  	s2 =	sld [smem:$0x3FD9]  }
0x89: {  	s3 =	sld [smem:$0x3FFE];
	_ =	sdelay $0x1  }
0x8a: {  	s1 =	srdreg.scid  }
0x8b: {  	s0 =	sand.u32 $0x1, s1  }
0x8c: {  	s17 =	sshll.u32 s0, $0xA;
	s2 =	sadd.s32 s3, s2  }
0x8d: {  	s2 =	sadd.s32 s2, s17  }
0x8e: {  	[smem:$0x3FC2] =	sst s2  }
0x8f: {  	_ = 	snop  }
0x90: {  	s2 =	sld [smem:$0x3FD0];
	(tm) =	ssettm $0x1  }
0x91: {  	s18 =	sld [smem:$0x3FFB];
	_ =	sdelay $0x3  }
0x92: {  	_ =	strace s18  }
0x93: {  	s3 =	sld [smem:$0x3FFC];
	_ =	sdelay $0x3  }
0x94: {  	_ =	strace s3  }
0x95: {  	s3 =	sld [smem:$0x3FFD];
	_ =	sdelay $0x3  }
0x96: {  	_ =	strace s3  }
0x97: {  	_ =	strace $0x8FFFFFFF  }
0x98: {  	s19 =	sld [smem:$0x3FDB];
	_ =	sdelay $0x1  }
0x99: {  	s4 =	simm.s32 $_scs_section_size  }
0x9a: {  	s5 =	simm.s32 $_size__tile_overlayer_lowered;
	s6 =	simm.s32 $_tile_overlayer_lowered  }
0x9b: {  	s22 =	simm.s32 $0x1BFF;
	s21 =	sshll.u32 s6, $0x1;
	s3 =	sadd.s32 s4, s19  }
0x9c: {  	s7 =	simm.s32 $0x0;
	s20 =	sshll.u32 s5, $0x1;
	s5 =	sadd.s32 s21, s3  }
0x9d: {  	[timem:s7], [sflag:s22] =	dma.local [hbm:s5], s20  }
0x9e: {  	_ =	swait.ge [sflag:s22], s20  }
0x9f: {  	s4 =	ssub.s32 $0x0, s20;
	[sflag:s22] =	ssyncset.done $0x0  }
0xa0: {  	[sflag:s22] =	ssyncadd.s32 s4;
	_ =	sdelay $0x1  }
0xa1: {  	s23 =	simm.s32 $0x1B8B  }
0xa2: {  	_ =	swait.ge [sflag:s23], $0x1  }
0xa3: {  	[sflag:s23] =	ssyncset.done $0x0  }
0xa4: {  	s25 =	simm.s32 $0x1B8E;
	s24 =	sld [smem:$0x3FFE];
	[sflag:s23] =	ssyncadd.s32 $0xFFFFFFFF  }
0xa5: {  	s26 =	simm.s32 $execute0_lowered;
	[smem:$0x3FD2] =	sst s25  }
0xa6: {  	s5 =	sshll.u32 s26, $0x1;
	_ =	strace $0x8000004C;
	[dreg:$0x1] =	wrdreg $0xFFFFFFFF  }
0xa7: {  	s28 =	simm.s32 $_size_execute0_lowered;
	s3 =	sadd.s32 s3, s5;
	[dreg:$0x0] =	wrdreg $0x0  }
0xa8: {  	s5 =	sshll.u32 s28, $0x1;
	[dreg:$0x2] =	wrdreg s3  }
0xa9: {  	[dreg:$0x3] =	wrdreg s5  }
0xaa: {  	[dreg:$0x4] =	wrdreg $0xC0  }
0xab: {  	_ =	task [dreg:s7], $0x5FFFF  }
0xac: {  	[dreg:$0x1] =	wrdreg $0xFFFFFFFF  }
0xad: {  	[dreg:$0x0] =	wrdreg $0x60  }
0xae: {  	[dreg:$0x2] =	wrdreg s24  }
0xaf: {  	[dreg:$0x3] =	wrdreg s2  }
0xb0: {  	[dreg:$0x4] =	wrdreg $0x90000  }
0xb1: {  	[dreg:$0x5] =	wrdreg $0x9  }
0xb2: {  	_ =	task.clear_ibuf [dreg:s7], $0x6FFFF;
	_ =	strace $0x9000004C  }
0xb3: {  	s29 =	simm.s32 $0x9;
	_ =	strace $0x8000004E  }
0xb4: {  	_ =	swait.ge [sflag:s29], $0x1  }
0xb5: {  	[sflag:s29] =	ssyncadd.s32 $0xFFFFFFFF  }
0xb6: {  	_ =	strace $0x9000004E  }
0xb7: {  	_ =	sfence  }
0xb8: {  	s30 =	sld [smem:$0x0];
	_ =	sdelay $0x2  }
0xb9: {  	s31 =	sshll.u32 s1, $0xD;
	s1 =	sshrl.u32 s1, $0x2  }
0xba: {  	s3 =	sand.u32 $0x4000, s31;
	s1 =	sadd.s32 s1, s30  }
0xbb: {  	s0 =	sor.u32 s3, s0;
	s1 =	sshll.u32 s1, $0x11  }
0xbc: {  	s0 =	sor.u32 s1, s0  }
0xbd: {  	s0 =	sadd.s32 $0x8F2B, s0  }
0xbe: {  	[sflag:s0] =	ssyncadd.remote.s32 $0x1  }
0xbf: {  	_ =	sfence.sel $0xFFFF  }
0xc0: {  	[dreg:$0x0] =	wrdreg $0xFFFFFFFF;
	(pc) =	sbr.abs _section_cstart, $3  }
0xc1: {  	[dreg:$0x1] =	wrdreg $0xFFFFFFFF  }
0xc2: {  	_ =	task.clear_ibuf [dreg:s7], $0x2FFFF;
	_ =	strace $0x9FFFFFFF  }
0xc3: {  	(tm) =	ssettm $0x7FFFFFFF  }
tec
execute0_lowered:
.L_overlay_start_1:
0x0: {  	(tag) =	ssettag $0x1  }
0x1: {  	s6 =	rddreg [dreg:$0x0]  }
0x2: {  	s1 =	srdreg.scid;
	s2 =	rddreg [dreg:$0x1]  }
0x3: {  	s0 =	stileid.u32;
	s3 =	rddreg [dreg:$0x2];
	s4 =	simm.s32 $0x0  }
0x4: {  	s16 =	simm.s32 $0x7D;
	s17 =	simm.s32 $0x5000;
	s18 =	simm.s32 $0x1  }
0x5: {  	s19 =	simm.s32 $0x0;
	s7 =	sand.u32 $0x1, s1;
	s1 =	rddreg [dreg:$0x3]  }
0x6: {  	s26 =	sshll.u32 s0, $0x1;
	[smem:$0x7FF] =	sst s4;
	s9 =	smul.u32 $0x50000, s0  }
0x7: {  	s12 =	smul.u32 $0x14000, s0;
	s13 =	sadd.s32 $0x19600, s6;
	s15 =	sadd.s32 $0x12C000, s3  }
0x8: {  	p0 =	seq.s32 s0, $0xF;
	s5 =	sor.u32 s7, s26;
	s10 =	ssub.s32 $0x2, s7  }
0x9: {  	_ =	strace $0x8000004D;
	s11 =	smul.u32 $0x138800, s7;
	s28 =	sshrl.u32 s10, $0x1  }
0xa: {  	s5 =	smul.u32 $0x500, s5;
	s9 =	sshrl.u32 s9, $0x2;
	s10 =	ssub.s32 s10, s28  }
0xb: {  	s14 =	sadd.s32 s9, s3;
	s29 =	sadd.s32 s12, s11;
	s31 =	sshrl.u32 s11, $0x3  }
0xc: {  	s12 =	sshll.u32 @!p0 s0, $0x6;
	s11 =	sshrl.u32 @p0 s15, $0x3;
	s15 =	simm.s32 $0x2800  }
0xd: {  	s8 =	sadd.s32 s5, s6;
	s5 =	sadd.s32 $0x16E00, s6;
	s30 =	sshrl.u32 s29, $0x3  }
0xe: {  	s9 =	sadd.s32 s13, s31;
	s10 =	smax.u32 s10, $0x1;
	s12 =	sor.u32 @!p0 $0x1C02, s12  }
0xf: {  	s6 =	sadd.s32 $0xC600, s8;
	s7 =	sadd.s32 $0x2200, s8;
	s8 =	sadd.s32 s13, s30  }
0x10: {  	s9 =	sadd.s32 $0x25800, s9;
	s13 =	sshrl.u32 @!p0 s14, $0x3;
	s14 =	simm.s32 $0x2  }
.LBB2_1:
0x11: {  	s20 =	simm.s32 @p0 $0x1FC2  }
0x12: {  	[spmem:s11], [sflag:s20] =	dma.local @p0 [hbm:s5], $0x1900  }
0x13: {  	s20 =	simm.s32 @p0 $0x2  }
0x14: {  	_ =	swait.ge @p0 [sflag:s20], $0x1900  }
0x15: {  	[sflag:s20] =	ssyncset.done @p0 $0x0  }
0x16: {  	[sflag:s20] =	ssyncadd.s32 @p0 $0xFFFFE700;
	s20 =	simm.s32 @!p0 $0x2  }
0x17: {  	[spmem:s13], [sflag:s12] =	dma.local @!p0 [hbm:s5], $0x2800  }
0x18: {  	_ =	swait.ge @!p0 [sflag:s20], $0x2800  }
0x19: {  	[sflag:s20] =	ssyncset.done @!p0 $0x0  }
0x1a: {  	[sflag:s20] =	ssyncadd.s32 @!p0 $0xFFFFD800  }
0x1b: {  	[tilespmem:s4], [sflag:$0x2] =	stream.linear.gather [hbm4b:s6+s4], $0x2800, $0x38;
	[tilespmem:$0x1C880] =	vst v63  }
0x1c: {  	_ =	swait.ge [sflag:s14], $0x2800  }
0x1d: {  	[sflag:s14] =	ssyncset.done $0x0  }
0x1e: {  	[sflag:s14] =	ssyncadd.s32 $0xFFFFD800  }
0x1f: {  	[tilespmem:s15], [sflag:$0x2] =	stream.linear.gather [hbm4b:s7+s4], $0x2800, $0x38;
	[tilespmem:$0x1C880] =	vst v63  }
0x20: {  	_ =	swait.ge [sflag:s14], $0x2800  }
0x21: {  	[sflag:s14] =	ssyncset.done $0x0  }
0x22: {  	[sflag:s14] =	ssyncadd.s32 $0xFFFFD800  }
0x23: {  	s30 =	simm.s32 $0x0;
	[bflag:$0x0] =	sbarrier.arrive $0xFFFF  }
0x24: {  	[tilespmem:s17], [sflag:$0x1] =	stream.indirect.gather [hbm4b:s2+s16], $0x80, s30, s16, $0xb8;
	[tilespmem:$0x1C880] =	vst v63  }
0x25: {  	_ =	swait.ge [sflag:s18], $0x3E80  }
0x26: {  	[sflag:s18] =	ssyncset.done $0x0  }
0x27: {  	s31 =	simm.s32 $0x2800;
	[sflag:s18] =	ssyncadd.s32 $0xFFFFC180  }
0x28: {  	[spmem:s3] =	stream.indirect.scatter.add.f32 [tilespmem:s17], [sflag:$0x2], $0x80, s31, s16, $0xb8;
	[tilespmem:$0x1C880] =	vst v63  }
0x29: {  	_ =	swait.ge [sflag:s14], $0x3E80  }
0x2a: {  	s21 =	simm.s32 $0x400;
	s20 =	simm.s32 $0x200;
	[sflag:s14] =	ssyncset.done $0x0  }
.LBB2_2:
0x2b: {  	s22 =	sshra.s32 s20, $0x2  }
0x2c: {  	[sflag:s14] =	ssyncadd.s32 $0xFFFFC180;
	s20 =	smov.u32 s21;
	s23 =	sadd.s32 $0x200, s21  }
0x2d: {  	[tilespmem:s17], [sflag:$0x1] =	stream.indirect.gather [hbm4b:s2+s16], $0x80, s22, s16, $0xb8;
	[tilespmem:$0x1C880] =	vst v63  }
0x2e: {  	p1 =	sne.s32 s21, $0x9E00;
	_ =	swait.ge [sflag:s18], $0x3E80  }
.Ltmp0:
0x2f: {  	[sflag:s18] =	ssyncset.done $0x0;
	(pc) =	sbr.rel @p1 .LBB2_2-.Ltmp0, $4  }
0x30: {  	s21 =	sadd.s32 $0x2800, s22;
	[sflag:s18] =	ssyncadd.s32 $0xFFFFC180  }
0x31: {  	[spmem:s3] =	stream.indirect.scatter.add.f32 [tilespmem:s17], [sflag:$0x2], $0x80, s21, s16, $0xb8;
	[tilespmem:$0x1C880] =	vst v63  }
0x32: {  	_ =	swait.ge [sflag:s14], $0x3E80  }
0x33: {  	s21 =	smov.u32 s23;
	[sflag:s14] =	ssyncset.done $0x0  }
0x34: {  	s20 =	sshra.s32 s20, $0x2;
	[sflag:s14] =	ssyncadd.s32 $0xFFFFC180  }
0x35: {  	[tilespmem:s17], [sflag:$0x1] =	stream.indirect.gather [hbm4b:s2+s16], $0x80, s20, s16, $0xb8;
	[tilespmem:$0x1C880] =	vst v63  }
0x36: {  	_ =	swait.ge [sflag:s18], $0x3E80  }
0x37: {  	[sflag:s18] =	ssyncset.done $0x0  }
0x38: {  	s20 =	sadd.s32 $0x2800, s20;
	[sflag:s18] =	ssyncadd.s32 $0xFFFFC180  }
0x39: {  	[spmem:s3] =	stream.indirect.scatter.add.f32 [tilespmem:s17], [sflag:$0x2], $0x80, s20, s16, $0xb8;
	[tilespmem:$0x1C880] =	vst v63  }
0x3a: {  	_ =	swait.ge [sflag:s14], $0x3E80  }
0x3b: {  	[sflag:s14] =	ssyncset.done $0x0  }
0x3c: {  	[sflag:s14] =	ssyncadd.s32 $0xFFFFC180  }
0x3d: {  	s20 =	simm.s32 @p0 $0x1FC2;
	[bflag:$0x0] =	sbarrier.arrive $0xFFFF  }
0x3e: {  	[hbm:s9], [sflag:s20] =	dma.local @p0 [spmem:s11], $0x1900  }
0x3f: {  	s20 =	simm.s32 @p0 $0x2  }
0x40: {  	s19 =	sadd.s32 $0x1, s19;
	_ =	swait.ge @p0 [sflag:s20], $0x1900  }
0x41: {  	p1 =	sne.s32 s19, s10;
	[sflag:s20] =	ssyncset.done @p0 $0x0  }
.Ltmp1:
0x42: {  	[sflag:s20] =	ssyncadd.s32 @p0 $0xFFFFE700;
	s20 =	simm.s32 @!p0 $0x2;
	(pc) =	sbr.rel @p1 .LBB2_1-.Ltmp1, $4  }
0x43: {  	[hbm:s8], [sflag:s12] =	dma.local @!p0 [spmem:s13], $0x2800  }
0x44: {  	_ =	swait.ge @!p0 [sflag:s20], $0x2800  }
0x45: {  	[sflag:s20] =	ssyncset.done @!p0 $0x0  }
0x46: {  	[sflag:s20] =	ssyncadd.s32 @!p0 $0xFFFFD800  }
0x47: {  	_ =	sfence.sel $0x180000  }
0x48: {  	[bflag:$0x0] =	sbarrier.arrive $0xFFFF  }
0x49: {  	p0 =	sne.s32 s0, $0x0;
	_ =	strace $0x9000004D  }
0x4a: {  	s0 =	sadd.s32 @!p0 $0x100000, s1;
	[bflag:$0x2] =	sbarrier.arrive $0xFFFF  }
0x4b: {  	[sflag:s0] =	ssyncadd.tile.s32 @!p0 $0x1;
	_ =	shalt  }
.Lfunc_end2:
_tile_overlayer_lowered:
.L_overlay_start_2:
0x4c: {  	(tag) =	ssettag $0x2  }
0x4d: {  	s0 =	rddreg [dreg:$0x0];
	s2 =	stileid.u32  }
0x4e: {  	s1 =	rddreg [dreg:$0x1];
	p0 =	sne.s32 s2, $0x0  }
0x4f: {  	s3 =	rddreg [dreg:$0x2];
	[bflag:$0x3] =	sbarrier.arrive $0xFFFF;
	s2 =	simm.s32 @!p0 $0x1C02  }
0x50: {  	[timem:s3], [sflag:s2] =	dma.local @!p0 [hbm:s0], s1  }
0x51: {  	s0 =	simm.s32 @!p0 $0x2  }
0x52: {  	_ =	swait.ge @!p0 [sflag:s0], s1  }
0x53: {  	s1 =	ssub.s32 @!p0 $0x0, s1;
	[sflag:s0] =	ssyncset.done @!p0 $0x0  }
0x54: {  	[sflag:s0] =	ssyncadd.s32 @!p0 s1  }
0x55: {  	[bflag:$0x3] =	sbarrier.arrive $0xFFFF  }
0x56: {  	_ =	shalt  }

// kernel: kernel.8.cloned.1.call-start
scs
__scs_entry_jumppad:
0x0: {  	(pc) =	sbr.rel $0x88, $3  }
0x1: {  	(tag) =	ssettag $0x0;
	lr =	simm.s32 $0x1  }
0x2: {  	[smem:$0x3F9B] =	sst lr;
	_ =	strace $0xD0000000  }
0x3: {  	_ = 	snop  }
0x4: {  	_ = 	snop  }
0x5: {  	_ = 	snop  }
0x6: {  	_ = 	snop  }
0x7: {  	_ = 	snop  }
__scs_overlays_trampoline_lowered:
0x8: {  	[smem:$0x3FAA] =	sst s0  }
0x9: {  	[smem:$0x3FAB] =	sst s1  }
0xa: {  	[smem:$0x3FAC] =	sst s2  }
0xb: {  	[smem:$0x3FAD] =	sst s3  }
0xc: {  	[smem:$0x3FAE] =	sst s4  }
0xd: {  	[smem:$0x3FAF] =	sst s5  }
0xe: {  	[smem:$0x3FB0] =	sst s6  }
0xf: {  	[smem:$0x3FB1] =	sst s7  }
0x10: {  	[smem:$0x3FB2] =	sst s8  }
0x11: {  	[smem:$0x3FB3] =	sst s9;
	s0 =	simm.s32 @!p0 $0x0  }
0x12: {  	s1 =	sld [smem:$0x3F99];
	s0 =	simm.s32 @p0 $0x1  }
0x13: {  	[smem:$0x3FB4] =	sst s0;
	s0 =	simm.s32 @!p1 $0x0  }
0x14: {  	s2 =	sld [smem:$0x3F98];
	s0 =	simm.s32 @p1 $0x1  }
0x15: {  	[smem:$0x3FB5] =	sst s0;
	s0 =	simm.s32 @!p2 $0x0  }
0x16: {  	s3 =	sld [smem:$0x3FDB];
	s0 =	simm.s32 @p2 $0x1  }
0x17: {  	s4 =	simm.s32 $0x1BF5;
	[smem:$0x3FB7] =	sst s0  }
0x18: {  	s0 =	sld [smem:$0x3F9A];
	_ =	swait.ge [sflag:s4], $0x0  }
0x19: {  	s7 =	sld [smem:$0x3F9B]  }
0x1a: {  	s8 =	sadd.s32 $0xFFFFE003, lr  }
0x1b: {  	s9 =	sadd.s32 $0xFFFFFEF7, lr;
	s5 =	simm.s32 $0xFFFFFFFF;
	p2 =	slt.u32 s8, $0xFFFFF086  }
0x1c: {  	p1 =	slt.u32 s9, $0xF7A;
	s5 =	simm.s32 @!p2 $0x0  }
0x1d: {  	s5 =	simm.s32 @p1 $0x1;
	p0 =	seq.s32 s7, s2  }
0x1e: {  	s7 =	smul.u32 @!p0 $0xF7A, s2;
	p2 =	seq.s32 @!p0 s5, $0x0  }
0x1f: {  	s9 =	smul.u32 $0xF7A, s1;
	s8 =	simm.s32 @!p0 $0x1BF5;
	p2 =	por !p2, p0  }
0x20: {  	[sflag:s8] =	ssyncset.s32 @!p0 $0xFFFFF086;
	s6 =	sadd.s32 @!p0 s3, s7;
	s7 =	simm.s32 @!p0 $0x108  }
0x21: {  	s3 =	sadd.s32 s3, s9;
	s6 =	sadd.s32 @!p0 $0x88, s6;
	s7 =	simm.s32 @p2 $0x1082  }
0x22: {  	[simem:s7], [sflag:s8] =	dma.local @!p0 [hbm:s6], $0xF7A  }
0x23: {  	s9 =	sor.u32 $0xD0000000, s2;
	s6 =	simm.s32 $0x108;
	_ =	swait.ge @!p0 [sflag:s8], $0x0  }
0x24: {  	s3 =	sadd.s32 $0x88, s3;
	s6 =	simm.s32 @!p1 $0x1082;
	[sflag:s4] =	ssyncset.s32 $0xFFFFF086  }
0x25: {  	[simem:s6], [sflag:s4] =	dma.local [hbm:s3], $0xF7A  }
0x26: {  	[smem:$0x3F9B] =	sst s1;
	(tag) =	ssettag s2;
	_ =	strace s9  }
0x27: {  	s1 =	sld [smem:$0x3FAB]  }
0x28: {  	s2 =	sld [smem:$0x3FAC]  }
0x29: {  	s4 =	sld [smem:$0x3FAE]  }
0x2a: {  	p0 =	seq.s32 s5, $0x0;
	s5 =	sld [smem:$0x3FAF]  }
0x2b: {  	s6 =	sld [smem:$0x3FB0]  }
0x2c: {  	s7 =	sld [smem:$0x3FB1]  }
0x2d: {  	s3 =	simm.s32 $0x108;
	s8 =	sld [smem:$0x3FB2]  }
0x2e: {  	s3 =	simm.s32 @!p0 $0x1082;
	s9 =	sld [smem:$0x3FB3]  }
0x2f: {  	lr =	sadd.s32 s0, s3;
	s0 =	sld [smem:$0x3FAA]  }
0x30: {  	s3 =	sld [smem:$0x3FAD]  }
0x31: {  	[smem:$0x3FB6] =	sst s10  }
0x32: {  	s10 =	sld [smem:$0x3FB4];
	_ =	sdelay $0x3  }
0x33: {  	p0 =	seq.s32 s10, $0x1;
	s10 =	sld [smem:$0x3FB6];
	_ =	sdelay $0x3  }
0x34: {  	[smem:$0x3FB6] =	sst s10  }
0x35: {  	s10 =	sld [smem:$0x3FB5];
	_ =	sdelay $0x3  }
0x36: {  	p1 =	seq.s32 s10, $0x1;
	s10 =	sld [smem:$0x3FB6];
	_ =	sdelay $0x3  }
0x37: {  	[smem:$0x3FB6] =	sst s10  }
0x38: {  	s10 =	sld [smem:$0x3FB7]  }
0x39: {  	_ = 	snop;
	(pc) =	sbr.ind lr, $3  }
0x3a: {  	_ = 	snop  }
0x3b: {  	_ = 	snop  }
0x3c: {  	p2 =	seq.s32 s10, $0x1;
	s10 =	sld [smem:$0x3FB6]  }
0x3d: {  	_ =	shalt  }
0x3e: {  	_ =	shalt  }
0x3f: {  	_ =	shalt  }
0x40: {  	_ =	shalt  }
0x41: {  	_ =	shalt  }
0x42: {  	_ =	shalt  }
0x43: {  	_ =	shalt  }
0x44: {  	_ =	shalt  }
0x45: {  	_ =	shalt  }
0x46: {  	_ =	shalt  }
0x47: {  	_ =	shalt  }
0x48: {  	_ =	shalt  }
0x49: {  	_ =	shalt  }
0x4a: {  	_ =	shalt  }
0x4b: {  	_ =	shalt  }
0x4c: {  	_ =	shalt  }
0x4d: {  	_ =	shalt  }
0x4e: {  	_ =	shalt  }
0x4f: {  	_ =	shalt  }
0x50: {  	_ =	shalt  }
0x51: {  	_ =	shalt  }
0x52: {  	_ =	shalt  }
0x53: {  	_ =	shalt  }
0x54: {  	_ =	shalt  }
0x55: {  	_ =	shalt  }
0x56: {  	_ =	shalt  }
0x57: {  	_ =	shalt  }
0x58: {  	_ =	shalt  }
0x59: {  	_ =	shalt  }
0x5a: {  	_ =	shalt  }
0x5b: {  	_ =	shalt  }
0x5c: {  	_ =	shalt  }
0x5d: {  	_ =	shalt  }
0x5e: {  	_ =	shalt  }
0x5f: {  	_ =	shalt  }
0x60: {  	_ =	shalt  }
0x61: {  	_ =	shalt  }
0x62: {  	_ =	shalt  }
0x63: {  	_ =	shalt  }
0x64: {  	_ =	shalt  }
0x65: {  	_ =	shalt  }
0x66: {  	_ =	shalt  }
0x67: {  	_ =	shalt  }
0x68: {  	_ =	shalt  }
0x69: {  	_ =	shalt  }
0x6a: {  	_ =	shalt  }
0x6b: {  	_ =	shalt  }
0x6c: {  	_ =	shalt  }
0x6d: {  	_ =	shalt  }
0x6e: {  	_ =	shalt  }
0x6f: {  	_ =	shalt  }
0x70: {  	_ =	shalt  }
0x71: {  	_ =	shalt  }
0x72: {  	_ =	shalt  }
0x73: {  	_ =	shalt  }
0x74: {  	_ =	shalt  }
0x75: {  	_ =	shalt  }
0x76: {  	_ =	shalt  }
0x77: {  	_ =	shalt  }
0x78: {  	_ =	shalt  }
0x79: {  	_ =	shalt  }
0x7a: {  	_ =	shalt  }
0x7b: {  	_ =	shalt  }
0x7c: {  	_ =	shalt  }
0x7d: {  	_ =	shalt  }
0x7e: {  	_ =	shalt  }
0x7f: {  	_ =	shalt  }
0x80: {  	_ =	shalt  }
0x81: {  	_ =	shalt  }
0x82: {  	_ =	shalt  }
0x83: {  	_ =	shalt  }
0x84: {  	_ =	shalt  }
0x85: {  	_ =	shalt  }
0x86: {  	_ =	shalt  }
0x87: {  	_ =	shalt  }
.Lfunc_end0:
.L_simem_size_0:
called_computation_lowered:
.L_overlay_start_0:
0x88: {  	s2 =	sld [smem:$0x3FD9]  }
0x89: {  	s3 =	sld [smem:$0x3FFE];
	_ =	sdelay $0x1  }
0x8a: {  	s1 =	srdreg.scid  }
0x8b: {  	s0 =	sand.u32 $0x1, s1  }
0x8c: {  	s17 =	sshll.u32 s0, $0xA;
	s2 =	sadd.s32 s3, s2  }
0x8d: {  	s2 =	sadd.s32 s2, s17  }
0x8e: {  	[smem:$0x3FC2] =	sst s2  }
0x8f: {  	_ = 	snop  }
0x90: {  	s2 =	sld [smem:$0x3FD0];
	(tm) =	ssettm $0x1  }
0x91: {  	s18 =	sld [smem:$0x3FFB];
	_ =	sdelay $0x3  }
0x92: {  	_ =	strace s18  }
0x93: {  	s3 =	sld [smem:$0x3FFC];
	_ =	sdelay $0x3  }
0x94: {  	_ =	strace s3  }
0x95: {  	s3 =	sld [smem:$0x3FFD];
	_ =	sdelay $0x3  }
0x96: {  	_ =	strace s3  }
0x97: {  	_ =	strace $0x8FFFFFFF  }
0x98: {  	s19 =	sld [smem:$0x3FDB];
	_ =	sdelay $0x1  }
0x99: {  	s4 =	simm.s32 $_scs_section_size  }
0x9a: {  	s5 =	simm.s32 $_size__tile_overlayer_lowered;
	s6 =	simm.s32 $_tile_overlayer_lowered  }
0x9b: {  	s22 =	simm.s32 $0x1BFF;
	s21 =	sshll.u32 s6, $0x1;
	s3 =	sadd.s32 s4, s19  }
0x9c: {  	s7 =	simm.s32 $0x0;
	s20 =	sshll.u32 s5, $0x1;
	s5 =	sadd.s32 s21, s3  }
0x9d: {  	[timem:s7], [sflag:s22] =	dma.local [hbm:s5], s20  }
0x9e: {  	_ =	swait.ge [sflag:s22], s20  }
0x9f: {  	s4 =	ssub.s32 $0x0, s20;
	[sflag:s22] =	ssyncset.done $0x0  }
0xa0: {  	[sflag:s22] =	ssyncadd.s32 s4;
	_ =	sdelay $0x1  }
0xa1: {  	s23 =	simm.s32 $0x1B8B  }
0xa2: {  	_ =	swait.ge [sflag:s23], $0x1  }
0xa3: {  	[sflag:s23] =	ssyncset.done $0x0  }
0xa4: {  	s25 =	simm.s32 $0x1B8E;
	s24 =	sld [smem:$0x3FFE];
	[sflag:s23] =	ssyncadd.s32 $0xFFFFFFFF  }
0xa5: {  	s26 =	simm.s32 $execute0_lowered;
	[smem:$0x3FD2] =	sst s25  }
0xa6: {  	s5 =	sshll.u32 s26, $0x1;
	_ =	strace $0x80000046;
	[dreg:$0x1] =	wrdreg $0xFFFFFFFF  }
0xa7: {  	s28 =	simm.s32 $_size_execute0_lowered;
	s3 =	sadd.s32 s3, s5;
	[dreg:$0x0] =	wrdreg $0x0  }
0xa8: {  	s5 =	sshll.u32 s28, $0x1;
	[dreg:$0x2] =	wrdreg s3  }
0xa9: {  	[dreg:$0x3] =	wrdreg s5  }
0xaa: {  	[dreg:$0x4] =	wrdreg $0xC0  }
0xab: {  	_ =	task [dreg:s7], $0x5FFFF  }
0xac: {  	[dreg:$0x1] =	wrdreg $0xFFFFFFFF  }
0xad: {  	[dreg:$0x0] =	wrdreg $0x60  }
0xae: {  	[dreg:$0x2] =	wrdreg s24  }
0xaf: {  	[dreg:$0x3] =	wrdreg s2  }
0xb0: {  	[dreg:$0x4] =	wrdreg $0x2B000  }
0xb1: {  	[dreg:$0x5] =	wrdreg $0x9  }
0xb2: {  	_ =	task.clear_ibuf [dreg:s7], $0x6FFFF;
	_ =	strace $0x90000046  }
0xb3: {  	s29 =	simm.s32 $0x9;
	_ =	strace $0x80000048  }
0xb4: {  	_ =	swait.ge [sflag:s29], $0x1  }
0xb5: {  	[sflag:s29] =	ssyncadd.s32 $0xFFFFFFFF  }
0xb6: {  	_ =	strace $0x90000048  }
0xb7: {  	_ =	sfence  }
0xb8: {  	s30 =	sld [smem:$0x0];
	_ =	sdelay $0x2  }
0xb9: {  	s31 =	sshll.u32 s1, $0xD;
	s1 =	sshrl.u32 s1, $0x2  }
0xba: {  	s3 =	sand.u32 $0x4000, s31;
	s1 =	sadd.s32 s1, s30  }
0xbb: {  	s0 =	sor.u32 s3, s0;
	s1 =	sshll.u32 s1, $0x11  }
0xbc: {  	s0 =	sor.u32 s1, s0  }
0xbd: {  	s0 =	sadd.s32 $0x8F2B, s0  }
0xbe: {  	[sflag:s0] =	ssyncadd.remote.s32 $0x1  }
0xbf: {  	_ =	sfence.sel $0xFFFF  }
0xc0: {  	[dreg:$0x0] =	wrdreg $0xFFFFFFFF;
	(pc) =	sbr.abs _section_cstart, $3  }
0xc1: {  	[dreg:$0x1] =	wrdreg $0xFFFFFFFF  }
0xc2: {  	_ =	task.clear_ibuf [dreg:s7], $0x2FFFF;
	_ =	strace $0x9FFFFFFF  }
0xc3: {  	(tm) =	ssettm $0x7FFFFFFF  }
tec
execute0_lowered:
.L_overlay_start_1:
0x0: {  	(tag) =	ssettag $0x1  }
0x1: {  	s5 =	rddreg [dreg:$0x0]  }
0x2: {  	s10 =	rddreg [dreg:$0x1]  }
0x3: {  	s1 =	srdreg.scid;
	s0 =	stileid.u32  }
0x4: {  	s2 =	rddreg [dreg:$0x2];
	s3 =	simm.s32 $0x0;
	s15 =	simm.s32 $0x2800  }
0x5: {  	s16 =	simm.s32 $0x7D;
	s17 =	simm.s32 $0x0;
	s6 =	sand.u32 $0x1, s1  }
0x6: {  	s4 =	sshll.u32 s0, $0x1;
	s1 =	rddreg [dreg:$0x3];
	s7 =	smul.u32 $0xA00, s0  }
0x7: {  	[smem:$0x7FF] =	sst s3;
	s11 =	smul.u32 $0x280, s0;
	p0 =	seq.s32 s0, $0xF  }
0x8: {  	s4 =	sor.u32 s6, s4;
	_ =	strace $0x80000047;
	s9 =	ssub.s32 $0x2, s6  }
0x9: {  	s13 =	smul.u32 $0x2710, s6;
	s12 =	sshrl.u32 s9, $0x1;
	s7 =	sshrl.u32 s7, $0x2  }
0xa: {  	s4 =	smul.u32 $0x500, s4;
	s12 =	ssub.s32 s9, s12;
	s6 =	sadd.s32 s7, s2  }
0xb: {  	s7 =	sadd.s32 $0x2580, s2;
	s14 =	sadd.s32 s11, s13;
	s13 =	sshrl.u32 s13, $0x3  }
0xc: {  	s9 =	sadd.s32 s11, s2;
	s8 =	sadd.s32 s4, s5;
	s4 =	sadd.s32 $0xC400, s5  }
0xd: {  	s5 =	sadd.s32 $0xC200, s5;
	s31 =	sshrl.u32 s14, $0x3;
	s13 =	sadd.s32 s10, s13  }
0xe: {  	s12 =	smax.u32 s12, $0x1;
	s14 =	simm.s32 $0x1;
	s8 =	sadd.s32 $0x2200, s8  }
0xf: {  	s10 =	sadd.s32 s10, s31;
	s11 =	sadd.s32 $0x4B0, s13;
	s13 =	simm.s32 $0x2880  }
.LBB2_1:
0x10: {  	[tilespmem:s13], [sflag:$0x1] =	stream.linear.gather [hbm4b:s4+s3], $0x280, $0x38;
	[tilespmem:$0x2D78] =	vst v63  }
0x11: {  	_ =	swait.ge [sflag:s14], $0x280  }
0x12: {  	[sflag:s14] =	ssyncset.done $0x0  }
0x13: {  	s18 =	simm.s32 @p0 $0x2880;
	[sflag:s14] =	ssyncadd.s32 $0xFFFFFD80  }
0x14: {  	[spmem:s7] =	stream.linear.scatter @p0 [tilespmem:s18], [sflag:$0x1], $0x190, $0x38;
	[tilespmem:$0x2D78] =	vst v63  }
0x15: {  	s18 =	simm.s32 @p0 $0x1  }
0x16: {  	_ =	swait.ge @p0 [sflag:s18], $0x190  }
0x17: {  	[sflag:s18] =	ssyncset.done @p0 $0x0  }
0x18: {  	[sflag:s18] =	ssyncadd.s32 @p0 $0xFFFFFE70;
	s18 =	simm.s32 @!p0 $0x2880  }
0x19: {  	[spmem:s6] =	stream.linear.scatter @!p0 [tilespmem:s18], [sflag:$0x1], $0x280, $0x38;
	[tilespmem:$0x2D78] =	vst v63  }
0x1a: {  	s18 =	simm.s32 @!p0 $0x1  }
0x1b: {  	_ =	swait.ge @!p0 [sflag:s18], $0x280  }
0x1c: {  	[sflag:s18] =	ssyncset.done @!p0 $0x0  }
0x1d: {  	[sflag:s18] =	ssyncadd.s32 @!p0 $0xFFFFFD80  }
0x1e: {  	[tilespmem:s15], [sflag:$0x1] =	stream.linear.gather [hbm4b:s5+s3], $0x80, $0x38;
	[tilespmem:$0x2D78] =	vst v63  }
0x1f: {  	_ =	swait.ge [sflag:s14], $0x80  }
0x20: {  	[sflag:s14] =	ssyncset.done $0x0  }
0x21: {  	[sflag:s14] =	ssyncadd.s32 $0xFFFFFF80  }
0x22: {  	[tilespmem:s3], [sflag:$0x1] =	stream.linear.gather [hbm4b:s8+s3], $0x2800, $0x38;
	[tilespmem:$0x2D78] =	vst v63  }
0x23: {  	_ =	swait.ge [sflag:s14], $0x2800  }
0x24: {  	[sflag:s14] =	ssyncset.done $0x0  }
0x25: {  	[sflag:s14] =	ssyncadd.s32 $0xFFFFD800  }
0x26: {  	s31 =	simm.s32 $0x0;
	[bflag:$0x0] =	sbarrier.arrive $0xFFFF  }
0x27: {  	[spmem:s2] =	stream.indirect.scatter.add.f32 [tilespmem:s15], [sflag:$0x1], $0x1, s31, s16, $0xb8;
	[tilespmem:$0x2D78] =	vst v63  }
0x28: {  	_ =	swait.ge [sflag:s14], $0x7D  }
0x29: {  	s18 =	simm.s32 $0x200;
	[sflag:s14] =	ssyncset.done $0x0  }
.LBB2_2:
0x2a: {  	s19 =	sshra.s32 s18, $0x2;
	[sflag:s14] =	ssyncadd.s32 $0xFFFFFF83;
	p1 =	sne.s32 s18, $0x9E00  }
0x2b: {  	[spmem:s2] =	stream.indirect.scatter.add.f32 [tilespmem:s15], [sflag:$0x1], $0x1, s19, s16, $0xb8;
	[tilespmem:$0x2D78] =	vst v63  }
.Ltmp0:
0x2c: {  	_ = 	snop;
	(pc) =	sbr.rel @p1 .LBB2_2-.Ltmp0, $4  }
0x2d: {  	_ = 	snop  }
0x2e: {  	s18 =	sadd.s32 $0x200, s18  }
0x2f: {  	_ =	swait.ge [sflag:s14], $0x7D  }
0x30: {  	[sflag:s14] =	ssyncset.done $0x0  }
0x31: {  	[sflag:s14] =	ssyncadd.s32 $0xFFFFFF83  }
0x32: {  	s18 =	simm.s32 @p0 $0x2880;
	s19 =	simm.s32 @p0 $0x1;
	[bflag:$0x0] =	sbarrier.arrive $0xFFFF  }
0x33: {  	[tilespmem:s18], [sflag:$0x1] =	stream.linear.gather @p0 [spmem:s7], $0x190, $0x38;
	[tilespmem:$0x2D78] =	vst v63  }
0x34: {  	_ =	swait.ge @p0 [sflag:s19], $0x190  }
0x35: {  	[sflag:s19] =	ssyncset.done @p0 $0x0  }
0x36: {  	s20 =	simm.s32 @p0 $0x0;
	[sflag:s19] =	ssyncadd.s32 @p0 $0xFFFFFE70  }
0x37: {  	[hbm4b:s11+s20] =	stream.linear.scatter @p0 [tilespmem:s18], [sflag:$0x1], $0x190, $0x38;
	[tilespmem:$0x2D78] =	vst v63  }
0x38: {  	_ =	swait.ge @p0 [sflag:s19], $0x190  }
0x39: {  	[sflag:s19] =	ssyncset.done @p0 $0x0  }
0x3a: {  	s18 =	simm.s32 @!p0 $0x2880;
	[sflag:s19] =	ssyncadd.s32 @p0 $0xFFFFFE70;
	s19 =	simm.s32 @!p0 $0x1  }
0x3b: {  	[tilespmem:s18], [sflag:$0x1] =	stream.linear.gather @!p0 [spmem:s9], $0x280, $0x38;
	[tilespmem:$0x2D78] =	vst v63  }
0x3c: {  	s17 =	sadd.s32 $0x1, s17;
	_ =	swait.ge @!p0 [sflag:s19], $0x280  }
0x3d: {  	p1 =	sne.s32 s17, s12;
	[sflag:s19] =	ssyncset.done @!p0 $0x0  }
.Ltmp1:
0x3e: {  	s20 =	simm.s32 @!p0 $0x0;
	[sflag:s19] =	ssyncadd.s32 @!p0 $0xFFFFFD80;
	(pc) =	sbr.rel @p1 .LBB2_1-.Ltmp1, $4  }
0x3f: {  	[hbm4b:s10+s20] =	stream.linear.scatter @!p0 [tilespmem:s18], [sflag:$0x1], $0x280, $0x38;
	[tilespmem:$0x2D78] =	vst v63  }
0x40: {  	_ =	swait.ge @!p0 [sflag:s19], $0x280  }
0x41: {  	[sflag:s19] =	ssyncset.done @!p0 $0x0  }
0x42: {  	[sflag:s19] =	ssyncadd.s32 @!p0 $0xFFFFFD80  }
0x43: {  	_ =	sfence.sel $0x180000  }
0x44: {  	[bflag:$0x0] =	sbarrier.arrive $0xFFFF  }
0x45: {  	p0 =	sne.s32 s0, $0x0;
	_ =	strace $0x90000047  }
0x46: {  	s0 =	sadd.s32 @!p0 $0x100000, s1;
	[bflag:$0x2] =	sbarrier.arrive $0xFFFF  }
0x47: {  	[sflag:s0] =	ssyncadd.tile.s32 @!p0 $0x1;
	_ =	shalt  }
.Lfunc_end2:
_tile_overlayer_lowered:
.L_overlay_start_2:
0x48: {  	(tag) =	ssettag $0x2  }
0x49: {  	s0 =	rddreg [dreg:$0x0];
	s2 =	stileid.u32  }
0x4a: {  	s1 =	rddreg [dreg:$0x1];
	p0 =	sne.s32 s2, $0x0  }
0x4b: {  	s3 =	rddreg [dreg:$0x2];
	[bflag:$0x3] =	sbarrier.arrive $0xFFFF;
	s2 =	simm.s32 @!p0 $0x1C01  }
0x4c: {  	[timem:s3], [sflag:s2] =	dma.local @!p0 [hbm:s0], s1  }
0x4d: {  	s0 =	simm.s32 @!p0 $0x1  }
0x4e: {  	_ =	swait.ge @!p0 [sflag:s0], s1  }
0x4f: {  	s1 =	ssub.s32 @!p0 $0x0, s1;
	[sflag:s0] =	ssyncset.done @!p0 $0x0  }
0x50: {  	[sflag:s0] =	ssyncadd.s32 @!p0 s1  }
0x51: {  	[bflag:$0x3] =	sbarrier.arrive $0xFFFF  }
0x52: {  	_ =	shalt  }

</sc_bundles>
